<compile_context>
chip_gen: v7x
topology: tpu7x:2x2x1
jax: 0.10.2.dev20260603
libtpu: 0.0.44.dev20260713+nightly
codegen_flags: <defaults>
</compile_context>

<pallas_src>
import jax
import jax.numpy as jnp
from jax.experimental import pallas as pl
from jax.experimental.pallas import tpu as pltpu

_PRE_N = 2000
_P = 2048
_B = 256
_POST_N = 1000
_NMS_THRESH = 0.7
_MIN_SIZE = 4.0
_BASE = 640.0
_SCALE = 0.25
_SCORE_THRESH = 0.1
_NMS_ITERS = 20


def _nms_body(breg_ref, idx_ref, score_ref, boxes_ref, final_ref, c_ref):
    W = 256
    idx = idx_ref[0]
    score = score_ref[0]

    gx = (jnp.astype(idx & (W - 1), jnp.float32) + 0.5) / _SCALE
    gy = (jnp.astype(idx >> 8, jnp.float32) + 0.5) / _SCALE

    d0 = breg_ref[0, 0:1, :] * _BASE
    d1 = breg_ref[0, 1:2, :] * _BASE
    d2 = breg_ref[0, 2:3, :] * _BASE
    d3 = breg_ref[0, 3:4, :] * _BASE
    ang = breg_ref[0, 4:5, :]

    cx = gx + (d1 - d3) * 0.5
    cy = gy + (d2 - d0) * 0.5
    w = d1 + d3
    h = d0 + d2

    img_w = W / _SCALE
    cx = jnp.clip(cx, 0.0, img_w - 1.0)
    cy = jnp.clip(cy, 0.0, img_w - 1.0)

    valid = (score > _SCORE_THRESH) & (w >= _MIN_SIZE) & (h >= _MIN_SIZE)

    x1 = cx - w * 0.5
    y1 = cy - h * 0.5
    x2 = cx + w * 0.5
    y2 = cy + h * 0.5
    area = (x2 - x1) * (y2 - y1)

    x1c = jnp.transpose(x1)
    y1c = jnp.transpose(y1)
    x2c = jnp.transpose(x2)
    y2c = jnp.transpose(y2)
    areac = jnp.transpose(area)

    for k in range(_P // _B):
        lo, hi = k * _B, (k + 1) * _B
        bx1 = x1c[lo:hi, :]
        by1 = y1c[lo:hi, :]
        bx2 = x2c[lo:hi, :]
        by2 = y2c[lo:hi, :]
        barea = areac[lo:hi, :]
        iw = jnp.maximum(jnp.minimum(bx2, x2) - jnp.maximum(bx1, x1), 0.0)
        ih = jnp.maximum(jnp.minimum(by2, y2) - jnp.maximum(by1, y1), 0.0)
        inter = iw * ih
        iou = inter / (barea + area - inter + 1e-9)
        gi = k * _B + jax.lax.broadcasted_iota(jnp.int32, (_B, _P), 0)
        gj = jax.lax.broadcasted_iota(jnp.int32, (_B, _P), 1)
        c_ref[lo:hi, :] = jnp.where(gi < gj, iou, 0.0)

    keep_col = jnp.transpose(valid.astype(jnp.float32))
    keep_row = valid
    for _ in range(_NMS_ITERS):
        max_c = jnp.max(c_ref[...] * keep_col, axis=0, keepdims=True)
        keep_row = (max_c <= _NMS_THRESH) & valid
        keep_col = jnp.transpose(keep_row.astype(jnp.float32))

    boxes_ref[0, 0:1, :] = cx
    boxes_ref[0, 1:2, :] = cy
    boxes_ref[0, 2:3, :] = w
    boxes_ref[0, 3:4, :] = h
    boxes_ref[0, 4:5, :] = ang
    final_ref[0] = jnp.where(keep_row, score, -jnp.inf)


def kernel(objectness, box_regression):
    N, A, H, W = objectness.shape
    obj = jnp.transpose(objectness, (0, 2, 3, 1)).reshape(N, -1)
    breg_flat = box_regression.reshape(N, 5, H * W)

    scores, idx = jax.lax.top_k(obj, _PRE_N)
    gathered = jnp.take_along_axis(breg_flat, idx[:, None, :], axis=2)

    pad = _P - _PRE_N
    breg_p = jnp.pad(gathered, ((0, 0), (0, 0), (0, pad)))
    idx_p = jnp.pad(idx.astype(jnp.int32), ((0, 0), (0, pad)))[:, None, :]
    score_p = jnp.pad(scores, ((0, 0), (0, pad)), constant_values=-jnp.inf)[:, None, :]

    boxes, final = pl.pallas_call(
        _nms_body,
        grid=(N,),
        in_specs=[
            pl.BlockSpec((1, 5, _P), lambda n: (n, 0, 0)),
            pl.BlockSpec((1, 1, _P), lambda n: (n, 0, 0)),
            pl.BlockSpec((1, 1, _P), lambda n: (n, 0, 0)),
        ],
        out_specs=[
            pl.BlockSpec((1, 5, _P), lambda n: (n, 0, 0)),
            pl.BlockSpec((1, 1, _P), lambda n: (n, 0, 0)),
        ],
        out_shape=[
            jax.ShapeDtypeStruct((N, 5, _P), jnp.float32),
            jax.ShapeDtypeStruct((N, 1, _P), jnp.float32),
        ],
        scratch_shapes=[pltpu.VMEM((_P, _P), jnp.float32)],
    )(breg_p, idx_p, score_p)

    top_s, top_i = jax.lax.top_k(final[:, 0, :], _POST_N)
    boxes_t = jnp.transpose(boxes, (0, 2, 1))
    top_b = jnp.take_along_axis(boxes_t, top_i[:, :, None], axis=1)
    fin = jnp.isfinite(top_s)
    top_s = jnp.where(fin, top_s, 0.0)
    top_b = jnp.where(fin[:, :, None], top_b, 0.0)
    return jnp.concatenate([top_b, top_s[:, :, None]], axis=2)

# --- scband reference (transcript-rebuilt; emitter-appended) ---
"""Pipeline reference for scband-rpnpost-processor-63436666962411 (READ-ONLY COPY).

The authoritative reference and input builder live on the scoring server;
editing this copy changes nothing except your own understanding.
"""

import jax, jax.numpy as jnp
import numpy as np

PRE_NMS_TOP_N = 2000
POST_NMS_TOP_N = 1000
NMS_THRESH = 0.7
MIN_SIZE = 4.0
BASE_SIZE = 640.0
SCALE = 0.25
SCORE_THRESH = 0.1
NMS_ITERS = 20


def setup_inputs(seed: int = 0):
    key = jax.random.key(seed)
    k1, k2 = jax.random.split(key)
    objectness = jax.random.normal(k1, (2, 1, 256, 256), dtype=jnp.float32)
    box_regression = jax.random.uniform(k2, (2, 5, 256, 256), dtype=jnp.float32)
    return {"objectness": objectness, "box_regression": box_regression}


def eastbox2rbox(box, base_size, fm_size, scale):
    # EAST-style decode: box[..., :4] are (top, right, bottom, left) edge distances
    # (in units of base_size), box[..., 4] is the angle. Output xywha rboxes.
    H, W = fm_size
    ys = (jnp.arange(H, dtype=jnp.float32) + 0.5) / scale
    xs = (jnp.arange(W, dtype=jnp.float32) + 0.5) / scale
    gy, gx = jnp.meshgrid(ys, xs, indexing='ij')
    gx = gx.reshape(-1)
    gy = gy.reshape(-1)
    d = box[..., :4] * base_size
    angle = box[..., 4]
    cx = gx[None, :] + (d[..., 1] - d[..., 3]) * 0.5
    cy = gy[None, :] + (d[..., 2] - d[..., 0]) * 0.5
    w = d[..., 1] + d[..., 3]
    h = d[..., 0] + d[..., 2]
    return jnp.stack([cx, cy, w, h, angle], axis=-1)


def pairwise_iou(b):
    # axis-aligned IoU of xywha boxes (angle ignored, standard rotated-NMS approximation)
    x1 = b[:, 0] - b[:, 2] * 0.5
    y1 = b[:, 1] - b[:, 3] * 0.5
    x2 = b[:, 0] + b[:, 2] * 0.5
    y2 = b[:, 1] + b[:, 3] * 0.5
    area = (x2 - x1) * (y2 - y1)
    ix1 = jnp.maximum(x1[:, None], x1[None, :])
    iy1 = jnp.maximum(y1[:, None], y1[None, :])
    ix2 = jnp.minimum(x2[:, None], x2[None, :])
    iy2 = jnp.minimum(y2[:, None], y2[None, :])
    iw = jnp.maximum(ix2 - ix1, 0.0)
    ih = jnp.maximum(iy2 - iy1, 0.0)
    inter = iw * ih
    return inter / (area[:, None] + area[None, :] - inter + 1e-9)


def cluster_keep(C, valid_s):
    keep = valid_s.astype(jnp.float32)
    for _ in range(NMS_ITERS):
        maxC = jnp.max(C * keep[:, None], axis=0)
        keep = ((maxC <= NMS_THRESH) & valid_s).astype(jnp.float32)
    return keep


def nms_per_image(prop, score, img_w, img_h):
    # score threshold (inference path)
    valid = score > SCORE_THRESH
    # clip_to_image(remove_empty=False): clip centers into image
    cx = jnp.clip(prop[:, 0], 0.0, img_w - 1.0)
    cy = jnp.clip(prop[:, 1], 0.0, img_h - 1.0)
    prop = jnp.stack([cx, cy, prop[:, 2], prop[:, 3], prop[:, 4]], axis=1)
    # remove_small_boxes
    valid = valid & (prop[:, 2] >= MIN_SIZE) & (prop[:, 3] >= MIN_SIZE)
    score_m = jnp.where(valid, score, -jnp.inf)
    order = jnp.argsort(-score_m)
    prop = prop[order]
    score_m = score_m[order]
    valid_s = jnp.isfinite(score_m)
    iou = pairwise_iou(prop)
    C = jax.lax.stop_gradient(jnp.triu(iou, k=1))
    keep = jax.lax.stop_gradient(cluster_keep(C, valid_s))
    final = jnp.where(keep > 0, score_m, -jnp.inf)
    top_s, top_i = jax.lax.top_k(final, POST_NMS_TOP_N)
    top_b = prop[top_i]
    fin = jnp.isfinite(top_s)
    top_s = jnp.where(fin, top_s, 0.0)
    top_b = jnp.where(fin[:, None], top_b, 0.0)
    return jnp.concatenate([top_b, top_s[:, None]], axis=1)


def reference(objectness, box_regression):
    N, A, H, W = objectness.shape
    obj = jnp.transpose(objectness, (0, 2, 3, 1)).reshape(N, -1)
    breg = jnp.transpose(box_regression[:, :5].reshape(N, -1, 5, H, W), (0, 3, 4, 1, 2)).reshape(N, -1, 5)
    proposals = eastbox2rbox(breg, BASE_SIZE, (H, W), SCALE)
    pre_n = min(PRE_NMS_TOP_N, A * H * W)
    scores, idx = jax.lax.top_k(obj, pre_n)
    props = jnp.take_along_axis(proposals, idx[:, :, None], axis=1)
    img_w = W / SCALE
    img_h = H / SCALE
    out = jax.vmap(lambda p, s: nms_per_image(p, s, img_w, img_h))(props, scores)
    return out

if __name__ == "__main__":
    import jax
    _d = setup_inputs()
    print(jax.jit(kernel)(*tuple(_d.values())))

</pallas_src>

<mosaic_0001>
module attributes {stable_mosaic.version = 14 : i64} {
  func.func @_nms_body(%arg0: i32, %arg1: memref<1x5x2048xf32, #tpu.memory_space<vmem>>, %arg2: memref<1x1x2048xi32, #tpu.memory_space<vmem>>, %arg3: memref<1x1x2048xf32, #tpu.memory_space<vmem>>, %arg4: memref<1x5x2048xf32, #tpu.memory_space<vmem>>, %arg5: memref<1x1x2048xf32, #tpu.memory_space<vmem>>, %arg6: memref<2048x2048xf32, #tpu.memory_space<vmem>>) attributes {dimension_semantics = [#tpu.dimension_semantics<arbitrary>], iteration_bounds = array<i64: 2>, scalar_prefetch = 0 : i64, scratch_operands = 1 : i64, tpu.core_type = #tpu.core_type<tc>, window_params = [{transform_indices = @transform_0, window_bounds = array<i64: 1, 5, 2048>}, {transform_indices = @transform_1, window_bounds = array<i64: 1, 1, 2048>}, {transform_indices = @transform_2, window_bounds = array<i64: 1, 1, 2048>}, {transform_indices = @transform_3, window_bounds = array<i64: 1, 5, 2048>}, {transform_indices = @transform_4, window_bounds = array<i64: 1, 1, 2048>}]} {
    %get3A = arith.constant 0 : index
    %get3A_0 = arith.constant 0 : index
    %get3A_1 = arith.constant 0 : index
    %get3A_2 = vector.load %arg2[%get3A, %get3A_0, %get3A_1] : memref<1x1x2048xi32, #tpu.memory_space<vmem>>, vector<1x1x2048xi32>
    %get3A_3 = vector.shape_cast %get3A_2 : vector<1x1x2048xi32> to vector<1x2048xi32>
    %get3A_4 = arith.constant 0 : index
    %get3A_5 = arith.constant 0 : index
    %get3A_6 = arith.constant 0 : index
    %get3A_7 = vector.load %arg3[%get3A_4, %get3A_5, %get3A_6] : memref<1x1x2048xf32, #tpu.memory_space<vmem>>, vector<1x1x2048xf32>
    %get3A_8 = vector.shape_cast %get3A_7 : vector<1x1x2048xf32> to vector<1x2048xf32>
    %and3A = arith.constant 255 : i32
    %and3A_9 = vector.broadcast %and3A : i32 to vector<1x2048xi32>
    %and3A_10 = arith.andi %get3A_3, %and3A_9 : vector<1x2048xi32>
    %convert_element_type3A = arith.sitofp %and3A_10 : vector<1x2048xi32> to vector<1x2048xf32>
    %add3A = arith.constant 5.000000e-01 : f32
    %add3A_11 = vector.broadcast %add3A : f32 to vector<1x2048xf32>
    %add3A_12 = arith.addf %convert_element_type3A, %add3A_11 : vector<1x2048xf32>
    %div3A = arith.constant 2.500000e-01 : f32
    %div3A_13 = vector.broadcast %div3A : f32 to vector<1x2048xf32>
    %div3A_14 = arith.divf %add3A_12, %div3A_13 : vector<1x2048xf32>
    %shift_right_arithmetic3A = arith.constant 8 : i32
    %shift_right_arithmetic3A_15 = vector.broadcast %shift_right_arithmetic3A : i32 to vector<1x2048xi32>
    %shift_right_arithmetic3A_16 = arith.shrsi %get3A_3, %shift_right_arithmetic3A_15 : vector<1x2048xi32>
    %convert_element_type3A_17 = arith.sitofp %shift_right_arithmetic3A_16 : vector<1x2048xi32> to vector<1x2048xf32>
    %add3A_18 = arith.constant 5.000000e-01 : f32
    %add3A_19 = vector.broadcast %add3A_18 : f32 to vector<1x2048xf32>
    %add3A_20 = arith.addf %convert_element_type3A_17, %add3A_19 : vector<1x2048xf32>
    %div3A_21 = arith.constant 2.500000e-01 : f32
    %div3A_22 = vector.broadcast %div3A_21 : f32 to vector<1x2048xf32>
    %div3A_23 = arith.divf %add3A_20, %div3A_22 : vector<1x2048xf32>
    %get3A_24 = arith.constant 0 : index
    %get3A_25 = arith.constant 0 : index
    %get3A_26 = arith.constant 0 : index
    %get3A_27 = vector.load %arg1[%get3A_24, %get3A_25, %get3A_26] : memref<1x5x2048xf32, #tpu.memory_space<vmem>>, vector<1x1x2048xf32>
    %get3A_28 = vector.shape_cast %get3A_27 : vector<1x1x2048xf32> to vector<1x2048xf32>
    %mul3A = arith.constant 6.400000e+02 : f32
    %mul3A_29 = vector.broadcast %mul3A : f32 to vector<1x2048xf32>
    %mul3A_30 = arith.mulf %get3A_28, %mul3A_29 : vector<1x2048xf32>
    %get3A_31 = arith.constant 0 : index
    %get3A_32 = arith.constant 1 : index
    %get3A_33 = arith.constant 0 : index
    %get3A_34 = vector.load %arg1[%get3A_31, %get3A_32, %get3A_33] : memref<1x5x2048xf32, #tpu.memory_space<vmem>>, vector<1x1x2048xf32>
    %get3A_35 = vector.shape_cast %get3A_34 : vector<1x1x2048xf32> to vector<1x2048xf32>
    %mul3A_36 = arith.constant 6.400000e+02 : f32
    %mul3A_37 = vector.broadcast %mul3A_36 : f32 to vector<1x2048xf32>
    %mul3A_38 = arith.mulf %get3A_35, %mul3A_37 : vector<1x2048xf32>
    %get3A_39 = arith.constant 0 : index
    %get3A_40 = arith.constant 2 : index
    %get3A_41 = arith.constant 0 : index
    %get3A_42 = vector.load %arg1[%get3A_39, %get3A_40, %get3A_41] : memref<1x5x2048xf32, #tpu.memory_space<vmem>>, vector<1x1x2048xf32>
    %get3A_43 = vector.shape_cast %get3A_42 : vector<1x1x2048xf32> to vector<1x2048xf32>
    %mul3A_44 = arith.constant 6.400000e+02 : f32
    %mul3A_45 = vector.broadcast %mul3A_44 : f32 to vector<1x2048xf32>
    %mul3A_46 = arith.mulf %get3A_43, %mul3A_45 : vector<1x2048xf32>
    %get3A_47 = arith.constant 0 : index
    %get3A_48 = arith.constant 3 : index
    %get3A_49 = arith.constant 0 : index
    %get3A_50 = vector.load %arg1[%get3A_47, %get3A_48, %get3A_49] : memref<1x5x2048xf32, #tpu.memory_space<vmem>>, vector<1x1x2048xf32>
    %get3A_51 = vector.shape_cast %get3A_50 : vector<1x1x2048xf32> to vector<1x2048xf32>
    %mul3A_52 = arith.constant 6.400000e+02 : f32
    %mul3A_53 = vector.broadcast %mul3A_52 : f32 to vector<1x2048xf32>
    %mul3A_54 = arith.mulf %get3A_51, %mul3A_53 : vector<1x2048xf32>
    %get3A_55 = arith.constant 0 : index
    %get3A_56 = arith.constant 4 : index
    %get3A_57 = arith.constant 0 : index
    %get3A_58 = vector.load %arg1[%get3A_55, %get3A_56, %get3A_57] : memref<1x5x2048xf32, #tpu.memory_space<vmem>>, vector<1x1x2048xf32>
    %get3A_59 = vector.shape_cast %get3A_58 : vector<1x1x2048xf32> to vector<1x2048xf32>
    %sub3A = arith.subf %mul3A_38, %mul3A_54 : vector<1x2048xf32>
    %mul3A_60 = arith.constant 5.000000e-01 : f32
    %mul3A_61 = vector.broadcast %mul3A_60 : f32 to vector<1x2048xf32>
    %mul3A_62 = arith.mulf %sub3A, %mul3A_61 : vector<1x2048xf32>
    %add3A_63 = arith.addf %div3A_14, %mul3A_62 : vector<1x2048xf32>
    %sub3A_64 = arith.subf %mul3A_46, %mul3A_30 : vector<1x2048xf32>
    %mul3A_65 = arith.constant 5.000000e-01 : f32
    %mul3A_66 = vector.broadcast %mul3A_65 : f32 to vector<1x2048xf32>
    %mul3A_67 = arith.mulf %sub3A_64, %mul3A_66 : vector<1x2048xf32>
    %add3A_68 = arith.addf %div3A_23, %mul3A_67 : vector<1x2048xf32>
    %add3A_69 = arith.addf %mul3A_38, %mul3A_54 : vector<1x2048xf32>
    %add3A_70 = arith.addf %mul3A_30, %mul3A_46 : vector<1x2048xf32>
    %jit3A = arith.constant 0.000000e+00 : f32
    %jit3A_71 = arith.constant 1.023000e+03 : f32
    %max3A = vector.broadcast %jit3A : f32 to vector<1x2048xf32>
    %max3A_72 = arith.maximumf %max3A, %add3A_63 : vector<1x2048xf32>
    %min3A = vector.broadcast %jit3A_71 : f32 to vector<1x2048xf32>
    %min3A_73 = arith.minimumf %min3A, %max3A_72 : vector<1x2048xf32>
    %jit3A_74 = arith.constant 0.000000e+00 : f32
    %jit3A_75 = arith.constant 1.023000e+03 : f32
    %max3A_76 = vector.broadcast %jit3A_74 : f32 to vector<1x2048xf32>
    %max3A_77 = arith.maximumf %max3A_76, %add3A_68 : vector<1x2048xf32>
    %min3A_78 = vector.broadcast %jit3A_75 : f32 to vector<1x2048xf32>
    %min3A_79 = arith.minimumf %min3A_78, %max3A_77 : vector<1x2048xf32>
    %gt3A = arith.constant 1.000000e-01 : f32
    %gt3A_80 = vector.broadcast %gt3A : f32 to vector<1x2048xf32>
    %gt3A_81 = arith.cmpf ogt, %get3A_8, %gt3A_80 : vector<1x2048xf32>
    %ge3A = arith.constant 4.000000e+00 : f32
    %ge3A_82 = vector.broadcast %ge3A : f32 to vector<1x2048xf32>
    %ge3A_83 = arith.cmpf oge, %add3A_69, %ge3A_82 : vector<1x2048xf32>
    %and3A_84 = arith.andi %gt3A_81, %ge3A_83 : vector<1x2048xi1>
    %ge3A_85 = arith.constant 4.000000e+00 : f32
    %ge3A_86 = vector.broadcast %ge3A_85 : f32 to vector<1x2048xf32>
    %ge3A_87 = arith.cmpf oge, %add3A_70, %ge3A_86 : vector<1x2048xf32>
    %and3A_88 = arith.andi %and3A_84, %ge3A_87 : vector<1x2048xi1>
    %mul3A_89 = arith.constant 5.000000e-01 : f32
    %mul3A_90 = vector.broadcast %mul3A_89 : f32 to vector<1x2048xf32>
    %mul3A_91 = arith.mulf %add3A_69, %mul3A_90 : vector<1x2048xf32>
    %sub3A_92 = arith.subf %min3A_73, %mul3A_91 : vector<1x2048xf32>
    %mul3A_93 = arith.constant 5.000000e-01 : f32
    %mul3A_94 = vector.broadcast %mul3A_93 : f32 to vector<1x2048xf32>
    %mul3A_95 = arith.mulf %add3A_70, %mul3A_94 : vector<1x2048xf32>
    %sub3A_96 = arith.subf %min3A_79, %mul3A_95 : vector<1x2048xf32>
    %mul3A_97 = arith.constant 5.000000e-01 : f32
    %mul3A_98 = vector.broadcast %mul3A_97 : f32 to vector<1x2048xf32>
    %mul3A_99 = arith.mulf %add3A_69, %mul3A_98 : vector<1x2048xf32>
    %add3A_100 = arith.addf %min3A_73, %mul3A_99 : vector<1x2048xf32>
    %mul3A_101 = arith.constant 5.000000e-01 : f32
    %mul3A_102 = vector.broadcast %mul3A_101 : f32 to vector<1x2048xf32>
    %mul3A_103 = arith.mulf %add3A_70, %mul3A_102 : vector<1x2048xf32>
    %add3A_104 = arith.addf %min3A_79, %mul3A_103 : vector<1x2048xf32>
    %sub3A_105 = arith.subf %add3A_100, %sub3A_92 : vector<1x2048xf32>
    %sub3A_106 = arith.subf %add3A_104, %sub3A_96 : vector<1x2048xf32>
    %mul3A_107 = arith.mulf %sub3A_105, %sub3A_106 : vector<1x2048xf32>
    %transpose3A = tpu.transpose %sub3A_92, [1, 0] : vector<1x2048xf32> -> vector<2048x1xf32>
    %transpose3A_108 = tpu.transpose %sub3A_96, [1, 0] : vector<1x2048xf32> -> vector<2048x1xf32>
    %transpose3A_109 = tpu.transpose %add3A_100, [1, 0] : vector<1x2048xf32> -> vector<2048x1xf32>
    %transpose3A_110 = tpu.transpose %add3A_104, [1, 0] : vector<1x2048xf32> -> vector<2048x1xf32>
    %transpose3A_111 = tpu.transpose %mul3A_107, [1, 0] : vector<1x2048xf32> -> vector<2048x1xf32>
    %slice3A = vector.extract_strided_slice %transpose3A {offsets = [0, 0], sizes = [256, 1], strides = [1, 1]} : vector<2048x1xf32> to vector<256x1xf32>
    %slice3A_112 = vector.extract_strided_slice %transpose3A_108 {offsets = [0, 0], sizes = [256, 1], strides = [1, 1]} : vector<2048x1xf32> to vector<256x1xf32>
    %slice3A_113 = vector.extract_strided_slice %transpose3A_109 {offsets = [0, 0], sizes = [256, 1], strides = [1, 1]} : vector<2048x1xf32> to vector<256x1xf32>
    %slice3A_114 = vector.extract_strided_slice %transpose3A_110 {offsets = [0, 0], sizes = [256, 1], strides = [1, 1]} : vector<2048x1xf32> to vector<256x1xf32>
    %slice3A_115 = vector.extract_strided_slice %transpose3A_111 {offsets = [0, 0], sizes = [256, 1], strides = [1, 1]} : vector<2048x1xf32> to vector<256x1xf32>
    %min3A_116 = vector.broadcast %slice3A_113 : vector<256x1xf32> to vector<256x2048xf32>
    %min3A_117 = vector.broadcast %add3A_100 : vector<1x2048xf32> to vector<256x2048xf32>
    %min3A_118 = arith.minimumf %min3A_116, %min3A_117 : vector<256x2048xf32>
    %max3A_119 = vector.broadcast %slice3A : vector<256x1xf32> to vector<256x2048xf32>
    %max3A_120 = vector.broadcast %sub3A_92 : vector<1x2048xf32> to vector<256x2048xf32>
    %max3A_121 = arith.maximumf %max3A_119, %max3A_120 : vector<256x2048xf32>
    %sub3A_122 = arith.subf %min3A_118, %max3A_121 : vector<256x2048xf32>
    %max3A_123 = arith.constant 0.000000e+00 : f32
    %max3A_124 = vector.broadcast %max3A_123 : f32 to vector<256x2048xf32>
    %max3A_125 = arith.maximumf %sub3A_122, %max3A_124 : vector<256x2048xf32>
    %min3A_126 = vector.broadcast %slice3A_114 : vector<256x1xf32> to vector<256x2048xf32>
    %min3A_127 = vector.broadcast %add3A_104 : vector<1x2048xf32> to vector<256x2048xf32>
    %min3A_128 = arith.minimumf %min3A_126, %min3A_127 : vector<256x2048xf32>
    %max3A_129 = vector.broadcast %slice3A_112 : vector<256x1xf32> to vector<256x2048xf32>
    %max3A_130 = vector.broadcast %sub3A_96 : vector<1x2048xf32> to vector<256x2048xf32>
    %max3A_131 = arith.maximumf %max3A_129, %max3A_130 : vector<256x2048xf32>
    %sub3A_132 = arith.subf %min3A_128, %max3A_131 : vector<256x2048xf32>
    %max3A_133 = arith.constant 0.000000e+00 : f32
    %max3A_134 = vector.broadcast %max3A_133 : f32 to vector<256x2048xf32>
    %max3A_135 = arith.maximumf %sub3A_132, %max3A_134 : vector<256x2048xf32>
    %mul3A_136 = arith.mulf %max3A_125, %max3A_135 : vector<256x2048xf32>
    %add3A_137 = vector.broadcast %slice3A_115 : vector<256x1xf32> to vector<256x2048xf32>
    %add3A_138 = vector.broadcast %mul3A_107 : vector<1x2048xf32> to vector<256x2048xf32>
    %add3A_139 = arith.addf %add3A_137, %add3A_138 : vector<256x2048xf32>
    %sub3A_140 = arith.subf %add3A_139, %mul3A_136 : vector<256x2048xf32>
    %add3A_141 = arith.constant 9.99999971E-10 : f32
    %add3A_142 = vector.broadcast %add3A_141 : f32 to vector<256x2048xf32>
    %add3A_143 = arith.addf %sub3A_140, %add3A_142 : vector<256x2048xf32>
    %div3A_144 = arith.divf %mul3A_136, %add3A_143 : vector<256x2048xf32>
    %iota3A = tpu.iota {dimensions = array<i32: 0>} : vector<256x2048xi32>
    %add3A_145 = arith.constant 0 : i32
    %add3A_146 = vector.broadcast %add3A_145 : i32 to vector<256x2048xi32>
    %add3A_147 = arith.addi %add3A_146, %iota3A : vector<256x2048xi32>
    %iota3A_148 = tpu.iota {dimensions = array<i32: 1>} : vector<256x2048xi32>
    %lt3A = arith.cmpi slt, %add3A_147, %iota3A_148 : vector<256x2048xi32>
    %jit3A_149 = arith.constant 0.000000e+00 : f32
    %broadcast_in_dim3A = vector.broadcast %jit3A_149 : f32 to vector<256x2048xf32>
    %select_n3A = arith.select %lt3A, %div3A_144, %broadcast_in_dim3A : vector<256x2048xi1>, vector<256x2048xf32>
    %swap3A = arith.constant 0 : index
    %swap3A_150 = arith.constant 0 : index
    %swap3A_151 = vector.load %arg6[%swap3A, %swap3A_150] : memref<2048x2048xf32, #tpu.memory_space<vmem>>, vector<256x2048xf32>
    tpu.vector_store %arg6[%swap3A, %swap3A_150], %select_n3A {strides = array<i32>} : memref<2048x2048xf32, #tpu.memory_space<vmem>>, vector<256x2048xf32>,
    %slice3A_152 = vector.extract_strided_slice %transpose3A {offsets = [256, 0], sizes = [256, 1], strides = [1, 1]} : vector<2048x1xf32> to vector<256x1xf32>
    %slice3A_153 = vector.extract_strided_slice %transpose3A_108 {offsets = [256, 0], sizes = [256, 1], strides = [1, 1]} : vector<2048x1xf32> to vector<256x1xf32>
    %slice3A_154 = vector.extract_strided_slice %transpose3A_109 {offsets = [256, 0], sizes = [256, 1], strides = [1, 1]} : vector<2048x1xf32> to vector<256x1xf32>
    %slice3A_155 = vector.extract_strided_slice %transpose3A_110 {offsets = [256, 0], sizes = [256, 1], strides = [1, 1]} : vector<2048x1xf32> to vector<256x1xf32>
    %slice3A_156 = vector.extract_strided_slice %transpose3A_111 {offsets = [256, 0], sizes = [256, 1], strides = [1, 1]} : vector<2048x1xf32> to vector<256x1xf32>
    %min3A_157 = vector.broadcast %slice3A_154 : vector<256x1xf32> to vector<256x2048xf32>
    %min3A_158 = vector.broadcast %add3A_100 : vector<1x2048xf32> to vector<256x2048xf32>
    %min3A_159 = arith.minimumf %min3A_157, %min3A_158 : vector<256x2048xf32>
    %max3A_160 = vector.broadcast %slice3A_152 : vector<256x1xf32> to vector<256x2048xf32>
    %max3A_161 = vector.broadcast %sub3A_92 : vector<1x2048xf32> to vector<256x2048xf32>
    %max3A_162 = arith.maximumf %max3A_160, %max3A_161 : vector<256x2048xf32>
    %sub3A_163 = arith.subf %min3A_159, %max3A_162 : vector<256x2048xf32>
    %max3A_164 = arith.constant 0.000000e+00 : f32
    %max3A_165 = vector.broadcast %max3A_164 : f32 to vector<256x2048xf32>
    %max3A_166 = arith.maximumf %sub3A_163, %max3A_165 : vector<256x2048xf32>
    %min3A_167 = vector.broadcast %slice3A_155 : vector<256x1xf32> to vector<256x2048xf32>
    %min3A_168 = vector.broadcast %add3A_104 : vector<1x2048xf32> to vector<256x2048xf32>
    %min3A_169 = arith.minimumf %min3A_167, %min3A_168 : vector<256x2048xf32>
    %max3A_170 = vector.broadcast %slice3A_153 : vector<256x1xf32> to vector<256x2048xf32>
    %max3A_171 = vector.broadcast %sub3A_96 : vector<1x2048xf32> to vector<256x2048xf32>
    %max3A_172 = arith.maximumf %max3A_170, %max3A_171 : vector<256x2048xf32>
    %sub3A_173 = arith.subf %min3A_169, %max3A_172 : vector<256x2048xf32>
    %max3A_174 = arith.constant 0.000000e+00 : f32
    %max3A_175 = vector.broadcast %max3A_174 : f32 to vector<256x2048xf32>
    %max3A_176 = arith.maximumf %sub3A_173, %max3A_175 : vector<256x2048xf32>
    %mul3A_177 = arith.mulf %max3A_166, %max3A_176 : vector<256x2048xf32>
    %add3A_178 = vector.broadcast %slice3A_156 : vector<256x1xf32> to vector<256x2048xf32>
    %add3A_179 = vector.broadcast %mul3A_107 : vector<1x2048xf32> to vector<256x2048xf32>
    %add3A_180 = arith.addf %add3A_178, %add3A_179 : vector<256x2048xf32>
    %sub3A_181 = arith.subf %add3A_180, %mul3A_177 : vector<256x2048xf32>
    %add3A_182 = arith.constant 9.99999971E-10 : f32
    %add3A_183 = vector.broadcast %add3A_182 : f32 to vector<256x2048xf32>
    %add3A_184 = arith.addf %sub3A_181, %add3A_183 : vector<256x2048xf32>
    %div3A_185 = arith.divf %mul3A_177, %add3A_184 : vector<256x2048xf32>
    %iota3A_186 = tpu.iota {dimensions = array<i32: 0>} : vector<256x2048xi32>
    %add3A_187 = arith.constant 256 : i32
    %add3A_188 = vector.broadcast %add3A_187 : i32 to vector<256x2048xi32>
    %add3A_189 = arith.addi %add3A_188, %iota3A_186 : vector<256x2048xi32>
    %iota3A_190 = tpu.iota {dimensions = array<i32: 1>} : vector<256x2048xi32>
    %lt3A_191 = arith.cmpi slt, %add3A_189, %iota3A_190 : vector<256x2048xi32>
    %jit3A_192 = arith.constant 0.000000e+00 : f32
    %broadcast_in_dim3A_193 = vector.broadcast %jit3A_192 : f32 to vector<256x2048xf32>
    %select_n3A_194 = arith.select %lt3A_191, %div3A_185, %broadcast_in_dim3A_193 : vector<256x2048xi1>, vector<256x2048xf32>
    %swap3A_195 = arith.constant 256 : index
    %swap3A_196 = arith.constant 0 : index
    %swap3A_197 = vector.load %arg6[%swap3A_195, %swap3A_196] : memref<2048x2048xf32, #tpu.memory_space<vmem>>, vector<256x2048xf32>
    tpu.vector_store %arg6[%swap3A_195, %swap3A_196], %select_n3A_194 {strides = array<i32>} : memref<2048x2048xf32, #tpu.memory_space<vmem>>, vector<256x2048xf32>,
    %slice3A_198 = vector.extract_strided_slice %transpose3A {offsets = [512, 0], sizes = [256, 1], strides = [1, 1]} : vector<2048x1xf32> to vector<256x1xf32>
    %slice3A_199 = vector.extract_strided_slice %transpose3A_108 {offsets = [512, 0], sizes = [256, 1], strides = [1, 1]} : vector<2048x1xf32> to vector<256x1xf32>
    %slice3A_200 = vector.extract_strided_slice %transpose3A_109 {offsets = [512, 0], sizes = [256, 1], strides = [1, 1]} : vector<2048x1xf32> to vector<256x1xf32>
    %slice3A_201 = vector.extract_strided_slice %transpose3A_110 {offsets = [512, 0], sizes = [256, 1], strides = [1, 1]} : vector<2048x1xf32> to vector<256x1xf32>
    %slice3A_202 = vector.extract_strided_slice %transpose3A_111 {offsets = [512, 0], sizes = [256, 1], strides = [1, 1]} : vector<2048x1xf32> to vector<256x1xf32>
    %min3A_203 = vector.broadcast %slice3A_200 : vector<256x1xf32> to vector<256x2048xf32>
    %min3A_204 = vector.broadcast %add3A_100 : vector<1x2048xf32> to vector<256x2048xf32>
    %min3A_205 = arith.minimumf %min3A_203, %min3A_204 : vector<256x2048xf32>
    %max3A_206 = vector.broadcast %slice3A_198 : vector<256x1xf32> to vector<256x2048xf32>
    %max3A_207 = vector.broadcast %sub3A_92 : vector<1x2048xf32> to vector<256x2048xf32>
    %max3A_208 = arith.maximumf %max3A_206, %max3A_207 : vector<256x2048xf32>
    %sub3A_209 = arith.subf %min3A_205, %max3A_208 : vector<256x2048xf32>
    %max3A_210 = arith.constant 0.000000e+00 : f32
    %max3A_211 = vector.broadcast %max3A_210 : f32 to vector<256x2048xf32>
    %max3A_212 = arith.maximumf %sub3A_209, %max3A_211 : vector<256x2048xf32>
    %min3A_213 = vector.broadcast %slice3A_201 : vector<256x1xf32> to vector<256x2048xf32>
    %min3A_214 = vector.broadcast %add3A_104 : vector<1x2048xf32> to vector<256x2048xf32>
    %min3A_215 = arith.minimumf %min3A_213, %min3A_214 : vector<256x2048xf32>
    %max3A_216 = vector.broadcast %slice3A_199 : vector<256x1xf32> to vector<256x2048xf32>
    %max3A_217 = vector.broadcast %sub3A_96 : vector<1x2048xf32> to vector<256x2048xf32>
    %max3A_218 = arith.maximumf %max3A_216, %max3A_217 : vector<256x2048xf32>
    %sub3A_219 = arith.subf %min3A_215, %max3A_218 : vector<256x2048xf32>
    %max3A_220 = arith.constant 0.000000e+00 : f32
    %max3A_221 = vector.broadcast %max3A_220 : f32 to vector<256x2048xf32>
    %max3A_222 = arith.maximumf %sub3A_219, %max3A_221 : vector<256x2048xf32>
    %mul3A_223 = arith.mulf %max3A_212, %max3A_222 : vector<256x2048xf32>
    %add3A_224 = vector.broadcast %slice3A_202 : vector<256x1xf32> to vector<256x2048xf32>
    %add3A_225 = vector.broadcast %mul3A_107 : vector<1x2048xf32> to vector<256x2048xf32>
    %add3A_226 = arith.addf %add3A_224, %add3A_225 : vector<256x2048xf32>
    %sub3A_227 = arith.subf %add3A_226, %mul3A_223 : vector<256x2048xf32>
    %add3A_228 = arith.constant 9.99999971E-10 : f32
    %add3A_229 = vector.broadcast %add3A_228 : f32 to vector<256x2048xf32>
    %add3A_230 = arith.addf %sub3A_227, %add3A_229 : vector<256x2048xf32>
    %div3A_231 = arith.divf %mul3A_223, %add3A_230 : vector<256x2048xf32>
    %iota3A_232 = tpu.iota {dimensions = array<i32: 0>} : vector<256x2048xi32>
    %add3A_233 = arith.constant 512 : i32
    %add3A_234 = vector.broadcast %add3A_233 : i32 to vector<256x2048xi32>
    %add3A_235 = arith.addi %add3A_234, %iota3A_232 : vector<256x2048xi32>
    %iota3A_236 = tpu.iota {dimensions = array<i32: 1>} : vector<256x2048xi32>
    %lt3A_237 = arith.cmpi slt, %add3A_235, %iota3A_236 : vector<256x2048xi32>
    %jit3A_238 = arith.constant 0.000000e+00 : f32
    %broadcast_in_dim3A_239 = vector.broadcast %jit3A_238 : f32 to vector<256x2048xf32>
    %select_n3A_240 = arith.select %lt3A_237, %div3A_231, %broadcast_in_dim3A_239 : vector<256x2048xi1>, vector<256x2048xf32>
    %swap3A_241 = arith.constant 512 : index
    %swap3A_242 = arith.constant 0 : index
    %swap3A_243 = vector.load %arg6[%swap3A_241, %swap3A_242] : memref<2048x2048xf32, #tpu.memory_space<vmem>>, vector<256x2048xf32>
    tpu.vector_store %arg6[%swap3A_241, %swap3A_242], %select_n3A_240 {strides = array<i32>} : memref<2048x2048xf32, #tpu.memory_space<vmem>>, vector<256x2048xf32>,
    %slice3A_244 = vector.extract_strided_slice %transpose3A {offsets = [768, 0], sizes = [256, 1], strides = [1, 1]} : vector<2048x1xf32> to vector<256x1xf32>
    %slice3A_245 = vector.extract_strided_slice %transpose3A_108 {offsets = [768, 0], sizes = [256, 1], strides = [1, 1]} : vector<2048x1xf32> to vector<256x1xf32>
    %slice3A_246 = vector.extract_strided_slice %transpose3A_109 {offsets = [768, 0], sizes = [256, 1], strides = [1, 1]} : vector<2048x1xf32> to vector<256x1xf32>
    %slice3A_247 = vector.extract_strided_slice %transpose3A_110 {offsets = [768, 0], sizes = [256, 1], strides = [1, 1]} : vector<2048x1xf32> to vector<256x1xf32>
    %slice3A_248 = vector.extract_strided_slice %transpose3A_111 {offsets = [768, 0], sizes = [256, 1], strides = [1, 1]} : vector<2048x1xf32> to vector<256x1xf32>
    %min3A_249 = vector.broadcast %slice3A_246 : vector<256x1xf32> to vector<256x2048xf32>
    %min3A_250 = vector.broadcast %add3A_100 : vector<1x2048xf32> to vector<256x2048xf32>
    %min3A_251 = arith.minimumf %min3A_249, %min3A_250 : vector<256x2048xf32>
    %max3A_252 = vector.broadcast %slice3A_244 : vector<256x1xf32> to vector<256x2048xf32>
    %max3A_253 = vector.broadcast %sub3A_92 : vector<1x2048xf32> to vector<256x2048xf32>
    %max3A_254 = arith.maximumf %max3A_252, %max3A_253 : vector<256x2048xf32>
    %sub3A_255 = arith.subf %min3A_251, %max3A_254 : vector<256x2048xf32>
    %max3A_256 = arith.constant 0.000000e+00 : f32
    %max3A_257 = vector.broadcast %max3A_256 : f32 to vector<256x2048xf32>
    %max3A_258 = arith.maximumf %sub3A_255, %max3A_257 : vector<256x2048xf32>
    %min3A_259 = vector.broadcast %slice3A_247 : vector<256x1xf32> to vector<256x2048xf32>
    %min3A_260 = vector.broadcast %add3A_104 : vector<1x2048xf32> to vector<256x2048xf32>
    %min3A_261 = arith.minimumf %min3A_259, %min3A_260 : vector<256x2048xf32>
    %max3A_262 = vector.broadcast %slice3A_245 : vector<256x1xf32> to vector<256x2048xf32>
    %max3A_263 = vector.broadcast %sub3A_96 : vector<1x2048xf32> to vector<256x2048xf32>
    %max3A_264 = arith.maximumf %max3A_262, %max3A_263 : vector<256x2048xf32>
    %sub3A_265 = arith.subf %min3A_261, %max3A_264 : vector<256x2048xf32>
    %max3A_266 = arith.constant 0.000000e+00 : f32
    %max3A_267 = vector.broadcast %max3A_266 : f32 to vector<256x2048xf32>
    %max3A_268 = arith.maximumf %sub3A_265, %max3A_267 : vector<256x2048xf32>
    %mul3A_269 = arith.mulf %max3A_258, %max3A_268 : vector<256x2048xf32>
    %add3A_270 = vector.broadcast %slice3A_248 : vector<256x1xf32> to vector<256x2048xf32>
    %add3A_271 = vector.broadcast %mul3A_107 : vector<1x2048xf32> to vector<256x2048xf32>
    %add3A_272 = arith.addf %add3A_270, %add3A_271 : vector<256x2048xf32>
    %sub3A_273 = arith.subf %add3A_272, %mul3A_269 : vector<256x2048xf32>
    %add3A_274 = arith.constant 9.99999971E-10 : f32
    %add3A_275 = vector.broadcast %add3A_274 : f32 to vector<256x2048xf32>
    %add3A_276 = arith.addf %sub3A_273, %add3A_275 : vector<256x2048xf32>
    %div3A_277 = arith.divf %mul3A_269, %add3A_276 : vector<256x2048xf32>
    %iota3A_278 = tpu.iota {dimensions = array<i32: 0>} : vector<256x2048xi32>
    %add3A_279 = arith.constant 768 : i32
    %add3A_280 = vector.broadcast %add3A_279 : i32 to vector<256x2048xi32>
    %add3A_281 = arith.addi %add3A_280, %iota3A_278 : vector<256x2048xi32>
    %iota3A_282 = tpu.iota {dimensions = array<i32: 1>} : vector<256x2048xi32>
    %lt3A_283 = arith.cmpi slt, %add3A_281, %iota3A_282 : vector<256x2048xi32>
    %jit3A_284 = arith.constant 0.000000e+00 : f32
    %broadcast_in_dim3A_285 = vector.broadcast %jit3A_284 : f32 to vector<256x2048xf32>
    %select_n3A_286 = arith.select %lt3A_283, %div3A_277, %broadcast_in_dim3A_285 : vector<256x2048xi1>, vector<256x2048xf32>
    %swap3A_287 = arith.constant 768 : index
    %swap3A_288 = arith.constant 0 : index
    %swap3A_289 = vector.load %arg6[%swap3A_287, %swap3A_288] : memref<2048x2048xf32, #tpu.memory_space<vmem>>, vector<256x2048xf32>
    tpu.vector_store %arg6[%swap3A_287, %swap3A_288], %select_n3A_286 {strides = array<i32>} : memref<2048x2048xf32, #tpu.memory_space<vmem>>, vector<256x2048xf32>,
    %slice3A_290 = vector.extract_strided_slice %transpose3A {offsets = [1024, 0], sizes = [256, 1], strides = [1, 1]} : vector<2048x1xf32> to vector<256x1xf32>
    %slice3A_291 = vector.extract_strided_slice %transpose3A_108 {offsets = [1024, 0], sizes = [256, 1], strides = [1, 1]} : vector<2048x1xf32> to vector<256x1xf32>
    %slice3A_292 = vector.extract_strided_slice %transpose3A_109 {offsets = [1024, 0], sizes = [256, 1], strides = [1, 1]} : vector<2048x1xf32> to vector<256x1xf32>
    %slice3A_293 = vector.extract_strided_slice %transpose3A_110 {offsets = [1024, 0], sizes = [256, 1], strides = [1, 1]} : vector<2048x1xf32> to vector<256x1xf32>
    %slice3A_294 = vector.extract_strided_slice %transpose3A_111 {offsets = [1024, 0], sizes = [256, 1], strides = [1, 1]} : vector<2048x1xf32> to vector<256x1xf32>
    %min3A_295 = vector.broadcast %slice3A_292 : vector<256x1xf32> to vector<256x2048xf32>
    %min3A_296 = vector.broadcast %add3A_100 : vector<1x2048xf32> to vector<256x2048xf32>
    %min3A_297 = arith.minimumf %min3A_295, %min3A_296 : vector<256x2048xf32>
    %max3A_298 = vector.broadcast %slice3A_290 : vector<256x1xf32> to vector<256x2048xf32>
    %max3A_299 = vector.broadcast %sub3A_92 : vector<1x2048xf32> to vector<256x2048xf32>
    %max3A_300 = arith.maximumf %max3A_298, %max3A_299 : vector<256x2048xf32>
    %sub3A_301 = arith.subf %min3A_297, %max3A_300 : vector<256x2048xf32>
    %max3A_302 = arith.constant 0.000000e+00 : f32
    %max3A_303 = vector.broadcast %max3A_302 : f32 to vector<256x2048xf32>
    %max3A_304 = arith.maximumf %sub3A_301, %max3A_303 : vector<256x2048xf32>
    %min3A_305 = vector.broadcast %slice3A_293 : vector<256x1xf32> to vector<256x2048xf32>
    %min3A_306 = vector.broadcast %add3A_104 : vector<1x2048xf32> to vector<256x2048xf32>
    %min3A_307 = arith.minimumf %min3A_305, %min3A_306 : vector<256x2048xf32>
    %max3A_308 = vector.broadcast %slice3A_291 : vector<256x1xf32> to vector<256x2048xf32>
    %max3A_309 = vector.broadcast %sub3A_96 : vector<1x2048xf32> to vector<256x2048xf32>
    %max3A_310 = arith.maximumf %max3A_308, %max3A_309 : vector<256x2048xf32>
    %sub3A_311 = arith.subf %min3A_307, %max3A_310 : vector<256x2048xf32>
    %max3A_312 = arith.constant 0.000000e+00 : f32
    %max3A_313 = vector.broadcast %max3A_312 : f32 to vector<256x2048xf32>
    %max3A_314 = arith.maximumf %sub3A_311, %max3A_313 : vector<256x2048xf32>
    %mul3A_315 = arith.mulf %max3A_304, %max3A_314 : vector<256x2048xf32>
    %add3A_316 = vector.broadcast %slice3A_294 : vector<256x1xf32> to vector<256x2048xf32>
    %add3A_317 = vector.broadcast %mul3A_107 : vector<1x2048xf32> to vector<256x2048xf32>
    %add3A_318 = arith.addf %add3A_316, %add3A_317 : vector<256x2048xf32>
    %sub3A_319 = arith.subf %add3A_318, %mul3A_315 : vector<256x2048xf32>
    %add3A_320 = arith.constant 9.99999971E-10 : f32
    %add3A_321 = vector.broadcast %add3A_320 : f32 to vector<256x2048xf32>
    %add3A_322 = arith.addf %sub3A_319, %add3A_321 : vector<256x2048xf32>
    %div3A_323 = arith.divf %mul3A_315, %add3A_322 : vector<256x2048xf32>
    %iota3A_324 = tpu.iota {dimensions = array<i32: 0>} : vector<256x2048xi32>
    %add3A_325 = arith.constant 1024 : i32
    %add3A_326 = vector.broadcast %add3A_325 : i32 to vector<256x2048xi32>
    %add3A_327 = arith.addi %add3A_326, %iota3A_324 : vector<256x2048xi32>
    %iota3A_328 = tpu.iota {dimensions = array<i32: 1>} : vector<256x2048xi32>
    %lt3A_329 = arith.cmpi slt, %add3A_327, %iota3A_328 : vector<256x2048xi32>
    %jit3A_330 = arith.constant 0.000000e+00 : f32
    %broadcast_in_dim3A_331 = vector.broadcast %jit3A_330 : f32 to vector<256x2048xf32>
    %select_n3A_332 = arith.select %lt3A_329, %div3A_323, %broadcast_in_dim3A_331 : vector<256x2048xi1>, vector<256x2048xf32>
    %swap3A_333 = arith.constant 1024 : index
    %swap3A_334 = arith.constant 0 : index
    %swap3A_335 = vector.load %arg6[%swap3A_333, %swap3A_334] : memref<2048x2048xf32, #tpu.memory_space<vmem>>, vector<256x2048xf32>
    tpu.vector_store %arg6[%swap3A_333, %swap3A_334], %select_n3A_332 {strides = array<i32>} : memref<2048x2048xf32, #tpu.memory_space<vmem>>, vector<256x2048xf32>,
    %slice3A_336 = vector.extract_strided_slice %transpose3A {offsets = [1280, 0], sizes = [256, 1], strides = [1, 1]} : vector<2048x1xf32> to vector<256x1xf32>
    %slice3A_337 = vector.extract_strided_slice %transpose3A_108 {offsets = [1280, 0], sizes = [256, 1], strides = [1, 1]} : vector<2048x1xf32> to vector<256x1xf32>
    %slice3A_338 = vector.extract_strided_slice %transpose3A_109 {offsets = [1280, 0], sizes = [256, 1], strides = [1, 1]} : vector<2048x1xf32> to vector<256x1xf32>
    %slice3A_339 = vector.extract_strided_slice %transpose3A_110 {offsets = [1280, 0], sizes = [256, 1], strides = [1, 1]} : vector<2048x1xf32> to vector<256x1xf32>
    %slice3A_340 = vector.extract_strided_slice %transpose3A_111 {offsets = [1280, 0], sizes = [256, 1], strides = [1, 1]} : vector<2048x1xf32> to vector<256x1xf32>
    %min3A_341 = vector.broadcast %slice3A_338 : vector<256x1xf32> to vector<256x2048xf32>
    %min3A_342 = vector.broadcast %add3A_100 : vector<1x2048xf32> to vector<256x2048xf32>
    %min3A_343 = arith.minimumf %min3A_341, %min3A_342 : vector<256x2048xf32>
    %max3A_344 = vector.broadcast %slice3A_336 : vector<256x1xf32> to vector<256x2048xf32>
    %max3A_345 = vector.broadcast %sub3A_92 : vector<1x2048xf32> to vector<256x2048xf32>
    %max3A_346 = arith.maximumf %max3A_344, %max3A_345 : vector<256x2048xf32>
    %sub3A_347 = arith.subf %min3A_343, %max3A_346 : vector<256x2048xf32>
    %max3A_348 = arith.constant 0.000000e+00 : f32
    %max3A_349 = vector.broadcast %max3A_348 : f32 to vector<256x2048xf32>
    %max3A_350 = arith.maximumf %sub3A_347, %max3A_349 : vector<256x2048xf32>
    %min3A_351 = vector.broadcast %slice3A_339 : vector<256x1xf32> to vector<256x2048xf32>
    %min3A_352 = vector.broadcast %add3A_104 : vector<1x2048xf32> to vector<256x2048xf32>
    %min3A_353 = arith.minimumf %min3A_351, %min3A_352 : vector<256x2048xf32>
    %max3A_354 = vector.broadcast %slice3A_337 : vector<256x1xf32> to vector<256x2048xf32>
    %max3A_355 = vector.broadcast %sub3A_96 : vector<1x2048xf32> to vector<256x2048xf32>
    %max3A_356 = arith.maximumf %max3A_354, %max3A_355 : vector<256x2048xf32>
    %sub3A_357 = arith.subf %min3A_353, %max3A_356 : vector<256x2048xf32>
    %max3A_358 = arith.constant 0.000000e+00 : f32
    %max3A_359 = vector.broadcast %max3A_358 : f32 to vector<256x2048xf32>
    %max3A_360 = arith.maximumf %sub3A_357, %max3A_359 : vector<256x2048xf32>
    %mul3A_361 = arith.mulf %max3A_350, %max3A_360 : vector<256x2048xf32>
    %add3A_362 = vector.broadcast %slice3A_340 : vector<256x1xf32> to vector<256x2048xf32>
    %add3A_363 = vector.broadcast %mul3A_107 : vector<1x2048xf32> to vector<256x2048xf32>
    %add3A_364 = arith.addf %add3A_362, %add3A_363 : vector<256x2048xf32>
    %sub3A_365 = arith.subf %add3A_364, %mul3A_361 : vector<256x2048xf32>
    %add3A_366 = arith.constant 9.99999971E-10 : f32
    %add3A_367 = vector.broadcast %add3A_366 : f32 to vector<256x2048xf32>
    %add3A_368 = arith.addf %sub3A_365, %add3A_367 : vector<256x2048xf32>
    %div3A_369 = arith.divf %mul3A_361, %add3A_368 : vector<256x2048xf32>
    %iota3A_370 = tpu.iota {dimensions = array<i32: 0>} : vector<256x2048xi32>
    %add3A_371 = arith.constant 1280 : i32
    %add3A_372 = vector.broadcast %add3A_371 : i32 to vector<256x2048xi32>
    %add3A_373 = arith.addi %add3A_372, %iota3A_370 : vector<256x2048xi32>
    %iota3A_374 = tpu.iota {dimensions = array<i32: 1>} : vector<256x2048xi32>
    %lt3A_375 = arith.cmpi slt, %add3A_373, %iota3A_374 : vector<256x2048xi32>
    %jit3A_376 = arith.constant 0.000000e+00 : f32
    %broadcast_in_dim3A_377 = vector.broadcast %jit3A_376 : f32 to vector<256x2048xf32>
    %select_n3A_378 = arith.select %lt3A_375, %div3A_369, %broadcast_in_dim3A_377 : vector<256x2048xi1>, vector<256x2048xf32>
    %swap3A_379 = arith.constant 1280 : index
    %swap3A_380 = arith.constant 0 : index
    %swap3A_381 = vector.load %arg6[%swap3A_379, %swap3A_380] : memref<2048x2048xf32, #tpu.memory_space<vmem>>, vector<256x2048xf32>
    tpu.vector_store %arg6[%swap3A_379, %swap3A_380], %select_n3A_378 {strides = array<i32>} : memref<2048x2048xf32, #tpu.memory_space<vmem>>, vector<256x2048xf32>,
    %slice3A_382 = vector.extract_strided_slice %transpose3A {offsets = [1536, 0], sizes = [256, 1], strides = [1, 1]} : vector<2048x1xf32> to vector<256x1xf32>
    %slice3A_383 = vector.extract_strided_slice %transpose3A_108 {offsets = [1536, 0], sizes = [256, 1], strides = [1, 1]} : vector<2048x1xf32> to vector<256x1xf32>
    %slice3A_384 = vector.extract_strided_slice %transpose3A_109 {offsets = [1536, 0], sizes = [256, 1], strides = [1, 1]} : vector<2048x1xf32> to vector<256x1xf32>
    %slice3A_385 = vector.extract_strided_slice %transpose3A_110 {offsets = [1536, 0], sizes = [256, 1], strides = [1, 1]} : vector<2048x1xf32> to vector<256x1xf32>
    %slice3A_386 = vector.extract_strided_slice %transpose3A_111 {offsets = [1536, 0], sizes = [256, 1], strides = [1, 1]} : vector<2048x1xf32> to vector<256x1xf32>
    %min3A_387 = vector.broadcast %slice3A_384 : vector<256x1xf32> to vector<256x2048xf32>
    %min3A_388 = vector.broadcast %add3A_100 : vector<1x2048xf32> to vector<256x2048xf32>
    %min3A_389 = arith.minimumf %min3A_387, %min3A_388 : vector<256x2048xf32>
    %max3A_390 = vector.broadcast %slice3A_382 : vector<256x1xf32> to vector<256x2048xf32>
    %max3A_391 = vector.broadcast %sub3A_92 : vector<1x2048xf32> to vector<256x2048xf32>
    %max3A_392 = arith.maximumf %max3A_390, %max3A_391 : vector<256x2048xf32>
    %sub3A_393 = arith.subf %min3A_389, %max3A_392 : vector<256x2048xf32>
    %max3A_394 = arith.constant 0.000000e+00 : f32
    %max3A_395 = vector.broadcast %max3A_394 : f32 to vector<256x2048xf32>
    %max3A_396 = arith.maximumf %sub3A_393, %max3A_395 : vector<256x2048xf32>
    %min3A_397 = vector.broadcast %slice3A_385 : vector<256x1xf32> to vector<256x2048xf32>
    %min3A_398 = vector.broadcast %add3A_104 : vector<1x2048xf32> to vector<256x2048xf32>
    %min3A_399 = arith.minimumf %min3A_397, %min3A_398 : vector<256x2048xf32>
    %max3A_400 = vector.broadcast %slice3A_383 : vector<256x1xf32> to vector<256x2048xf32>
    %max3A_401 = vector.broadcast %sub3A_96 : vector<1x2048xf32> to vector<256x2048xf32>
    %max3A_402 = arith.maximumf %max3A_400, %max3A_401 : vector<256x2048xf32>
    %sub3A_403 = arith.subf %min3A_399, %max3A_402 : vector<256x2048xf32>
    %max3A_404 = arith.constant 0.000000e+00 : f32
    %max3A_405 = vector.broadcast %max3A_404 : f32 to vector<256x2048xf32>
    %max3A_406 = arith.maximumf %sub3A_403, %max3A_405 : vector<256x2048xf32>
    %mul3A_407 = arith.mulf %max3A_396, %max3A_406 : vector<256x2048xf32>
    %add3A_408 = vector.broadcast %slice3A_386 : vector<256x1xf32> to vector<256x2048xf32>
    %add3A_409 = vector.broadcast %mul3A_107 : vector<1x2048xf32> to vector<256x2048xf32>
    %add3A_410 = arith.addf %add3A_408, %add3A_409 : vector<256x2048xf32>
    %sub3A_411 = arith.subf %add3A_410, %mul3A_407 : vector<256x2048xf32>
    %add3A_412 = arith.constant 9.99999971E-10 : f32
    %add3A_413 = vector.broadcast %add3A_412 : f32 to vector<256x2048xf32>
    %add3A_414 = arith.addf %sub3A_411, %add3A_413 : vector<256x2048xf32>
    %div3A_415 = arith.divf %mul3A_407, %add3A_414 : vector<256x2048xf32>
    %iota3A_416 = tpu.iota {dimensions = array<i32: 0>} : vector<256x2048xi32>
    %add3A_417 = arith.constant 1536 : i32
    %add3A_418 = vector.broadcast %add3A_417 : i32 to vector<256x2048xi32>
    %add3A_419 = arith.addi %add3A_418, %iota3A_416 : vector<256x2048xi32>
    %iota3A_420 = tpu.iota {dimensions = array<i32: 1>} : vector<256x2048xi32>
    %lt3A_421 = arith.cmpi slt, %add3A_419, %iota3A_420 : vector<256x2048xi32>
    %jit3A_422 = arith.constant 0.000000e+00 : f32
    %broadcast_in_dim3A_423 = vector.broadcast %jit3A_422 : f32 to vector<256x2048xf32>
    %select_n3A_424 = arith.select %lt3A_421, %div3A_415, %broadcast_in_dim3A_423 : vector<256x2048xi1>, vector<256x2048xf32>
    %swap3A_425 = arith.constant 1536 : index
    %swap3A_426 = arith.constant 0 : index
    %swap3A_427 = vector.load %arg6[%swap3A_425, %swap3A_426] : memref<2048x2048xf32, #tpu.memory_space<vmem>>, vector<256x2048xf32>
    tpu.vector_store %arg6[%swap3A_425, %swap3A_426], %select_n3A_424 {strides = array<i32>} : memref<2048x2048xf32, #tpu.memory_space<vmem>>, vector<256x2048xf32>,
    %slice3A_428 = vector.extract_strided_slice %transpose3A {offsets = [1792, 0], sizes = [256, 1], strides = [1, 1]} : vector<2048x1xf32> to vector<256x1xf32>
    %slice3A_429 = vector.extract_strided_slice %transpose3A_108 {offsets = [1792, 0], sizes = [256, 1], strides = [1, 1]} : vector<2048x1xf32> to vector<256x1xf32>
    %slice3A_430 = vector.extract_strided_slice %transpose3A_109 {offsets = [1792, 0], sizes = [256, 1], strides = [1, 1]} : vector<2048x1xf32> to vector<256x1xf32>
    %slice3A_431 = vector.extract_strided_slice %transpose3A_110 {offsets = [1792, 0], sizes = [256, 1], strides = [1, 1]} : vector<2048x1xf32> to vector<256x1xf32>
    %slice3A_432 = vector.extract_strided_slice %transpose3A_111 {offsets = [1792, 0], sizes = [256, 1], strides = [1, 1]} : vector<2048x1xf32> to vector<256x1xf32>
    %min3A_433 = vector.broadcast %slice3A_430 : vector<256x1xf32> to vector<256x2048xf32>
    %min3A_434 = vector.broadcast %add3A_100 : vector<1x2048xf32> to vector<256x2048xf32>
    %min3A_435 = arith.minimumf %min3A_433, %min3A_434 : vector<256x2048xf32>
    %max3A_436 = vector.broadcast %slice3A_428 : vector<256x1xf32> to vector<256x2048xf32>
    %max3A_437 = vector.broadcast %sub3A_92 : vector<1x2048xf32> to vector<256x2048xf32>
    %max3A_438 = arith.maximumf %max3A_436, %max3A_437 : vector<256x2048xf32>
    %sub3A_439 = arith.subf %min3A_435, %max3A_438 : vector<256x2048xf32>
    %max3A_440 = arith.constant 0.000000e+00 : f32
    %max3A_441 = vector.broadcast %max3A_440 : f32 to vector<256x2048xf32>
    %max3A_442 = arith.maximumf %sub3A_439, %max3A_441 : vector<256x2048xf32>
    %min3A_443 = vector.broadcast %slice3A_431 : vector<256x1xf32> to vector<256x2048xf32>
    %min3A_444 = vector.broadcast %add3A_104 : vector<1x2048xf32> to vector<256x2048xf32>
    %min3A_445 = arith.minimumf %min3A_443, %min3A_444 : vector<256x2048xf32>
    %max3A_446 = vector.broadcast %slice3A_429 : vector<256x1xf32> to vector<256x2048xf32>
    %max3A_447 = vector.broadcast %sub3A_96 : vector<1x2048xf32> to vector<256x2048xf32>
    %max3A_448 = arith.maximumf %max3A_446, %max3A_447 : vector<256x2048xf32>
    %sub3A_449 = arith.subf %min3A_445, %max3A_448 : vector<256x2048xf32>
    %max3A_450 = arith.constant 0.000000e+00 : f32
    %max3A_451 = vector.broadcast %max3A_450 : f32 to vector<256x2048xf32>
    %max3A_452 = arith.maximumf %sub3A_449, %max3A_451 : vector<256x2048xf32>
    %mul3A_453 = arith.mulf %max3A_442, %max3A_452 : vector<256x2048xf32>
    %add3A_454 = vector.broadcast %slice3A_432 : vector<256x1xf32> to vector<256x2048xf32>
    %add3A_455 = vector.broadcast %mul3A_107 : vector<1x2048xf32> to vector<256x2048xf32>
    %add3A_456 = arith.addf %add3A_454, %add3A_455 : vector<256x2048xf32>
    %sub3A_457 = arith.subf %add3A_456, %mul3A_453 : vector<256x2048xf32>
    %add3A_458 = arith.constant 9.99999971E-10 : f32
    %add3A_459 = vector.broadcast %add3A_458 : f32 to vector<256x2048xf32>
    %add3A_460 = arith.addf %sub3A_457, %add3A_459 : vector<256x2048xf32>
    %div3A_461 = arith.divf %mul3A_453, %add3A_460 : vector<256x2048xf32>
    %iota3A_462 = tpu.iota {dimensions = array<i32: 0>} : vector<256x2048xi32>
    %add3A_463 = arith.constant 1792 : i32
    %add3A_464 = vector.broadcast %add3A_463 : i32 to vector<256x2048xi32>
    %add3A_465 = arith.addi %add3A_464, %iota3A_462 : vector<256x2048xi32>
    %iota3A_466 = tpu.iota {dimensions = array<i32: 1>} : vector<256x2048xi32>
    %lt3A_467 = arith.cmpi slt, %add3A_465, %iota3A_466 : vector<256x2048xi32>
    %jit3A_468 = arith.constant 0.000000e+00 : f32
    %broadcast_in_dim3A_469 = vector.broadcast %jit3A_468 : f32 to vector<256x2048xf32>
    %select_n3A_470 = arith.select %lt3A_467, %div3A_461, %broadcast_in_dim3A_469 : vector<256x2048xi1>, vector<256x2048xf32>
    %swap3A_471 = arith.constant 1792 : index
    %swap3A_472 = arith.constant 0 : index
    %swap3A_473 = vector.load %arg6[%swap3A_471, %swap3A_472] : memref<2048x2048xf32, #tpu.memory_space<vmem>>, vector<256x2048xf32>
    tpu.vector_store %arg6[%swap3A_471, %swap3A_472], %select_n3A_470 {strides = array<i32>} : memref<2048x2048xf32, #tpu.memory_space<vmem>>, vector<256x2048xf32>,
    %convert_element_type3A_474 = arith.extui %and3A_88 : vector<1x2048xi1> to vector<1x2048xi32>
    %convert_element_type3A_475 = arith.sitofp %convert_element_type3A_474 : vector<1x2048xi32> to vector<1x2048xf32>
    %transpose3A_476 = tpu.transpose %convert_element_type3A_475, [1, 0] : vector<1x2048xf32> -> vector<2048x1xf32>
    %get3A_477 = arith.constant 0 : index
    %get3A_478 = arith.constant 0 : index
    %get3A_479 = vector.load %arg6[%get3A_477, %get3A_478] : memref<2048x2048xf32, #tpu.memory_space<vmem>>, vector<2048x2048xf32>
    %mul3A_480 = vector.broadcast %transpose3A_476 : vector<2048x1xf32> to vector<2048x2048xf32>
    %mul3A_481 = arith.mulf %get3A_479, %mul3A_480 : vector<2048x2048xf32>
    %reduce_max3A = arith.constant dense<0xFF800000> : vector<2048xf32>
    %reduce_max3A_482 = vector.multi_reduction <maximumf>, %mul3A_481, %reduce_max3A [0] : vector<2048x2048xf32> to vector<2048xf32>
    %broadcast_in_dim3A_483 = vector.shape_cast %reduce_max3A_482 : vector<2048xf32> to vector<1x2048xf32>
    %le3A = arith.constant 0.699999988 : f32
    %le3A_484 = vector.broadcast %le3A : f32 to vector<1x2048xf32>
    %le3A_485 = arith.cmpf ole, %broadcast_in_dim3A_483, %le3A_484 : vector<1x2048xf32>
    %and3A_486 = arith.andi %le3A_485, %and3A_88 : vector<1x2048xi1>
    %convert_element_type3A_487 = arith.extui %and3A_486 : vector<1x2048xi1> to vector<1x2048xi32>
    %convert_element_type3A_488 = arith.sitofp %convert_element_type3A_487 : vector<1x2048xi32> to vector<1x2048xf32>
    %transpose3A_489 = tpu.transpose %convert_element_type3A_488, [1, 0] : vector<1x2048xf32> -> vector<2048x1xf32>
    %get3A_490 = arith.constant 0 : index
    %get3A_491 = arith.constant 0 : index
    %get3A_492 = vector.load %arg6[%get3A_490, %get3A_491] : memref<2048x2048xf32, #tpu.memory_space<vmem>>, vector<2048x2048xf32>
    %mul3A_493 = vector.broadcast %transpose3A_489 : vector<2048x1xf32> to vector<2048x2048xf32>
    %mul3A_494 = arith.mulf %get3A_492, %mul3A_493 : vector<2048x2048xf32>
    %reduce_max3A_495 = arith.constant dense<0xFF800000> : vector<2048xf32>
    %reduce_max3A_496 = vector.multi_reduction <maximumf>, %mul3A_494, %reduce_max3A_495 [0] : vector<2048x2048xf32> to vector<2048xf32>
    %broadcast_in_dim3A_497 = vector.shape_cast %reduce_max3A_496 : vector<2048xf32> to vector<1x2048xf32>
    %le3A_498 = arith.constant 0.699999988 : f32
    %le3A_499 = vector.broadcast %le3A_498 : f32 to vector<1x2048xf32>
    %le3A_500 = arith.cmpf ole, %broadcast_in_dim3A_497, %le3A_499 : vector<1x2048xf32>
    %and3A_501 = arith.andi %le3A_500, %and3A_88 : vector<1x2048xi1>
    %convert_element_type3A_502 = arith.extui %and3A_501 : vector<1x2048xi1> to vector<1x2048xi32>
    %convert_element_type3A_503 = arith.sitofp %convert_element_type3A_502 : vector<1x2048xi32> to vector<1x2048xf32>
    %transpose3A_504 = tpu.transpose %convert_element_type3A_503, [1, 0] : vector<1x2048xf32> -> vector<2048x1xf32>
    %get3A_505 = arith.constant 0 : index
    %get3A_506 = arith.constant 0 : index
    %get3A_507 = vector.load %arg6[%get3A_505, %get3A_506] : memref<2048x2048xf32, #tpu.memory_space<vmem>>, vector<2048x2048xf32>
    %mul3A_508 = vector.broadcast %transpose3A_504 : vector<2048x1xf32> to vector<2048x2048xf32>
    %mul3A_509 = arith.mulf %get3A_507, %mul3A_508 : vector<2048x2048xf32>
    %reduce_max3A_510 = arith.constant dense<0xFF800000> : vector<2048xf32>
    %reduce_max3A_511 = vector.multi_reduction <maximumf>, %mul3A_509, %reduce_max3A_510 [0] : vector<2048x2048xf32> to vector<2048xf32>
    %broadcast_in_dim3A_512 = vector.shape_cast %reduce_max3A_511 : vector<2048xf32> to vector<1x2048xf32>
    %le3A_513 = arith.constant 0.699999988 : f32
    %le3A_514 = vector.broadcast %le3A_513 : f32 to vector<1x2048xf32>
    %le3A_515 = arith.cmpf ole, %broadcast_in_dim3A_512, %le3A_514 : vector<1x2048xf32>
    %and3A_516 = arith.andi %le3A_515, %and3A_88 : vector<1x2048xi1>
    %convert_element_type3A_517 = arith.extui %and3A_516 : vector<1x2048xi1> to vector<1x2048xi32>
    %convert_element_type3A_518 = arith.sitofp %convert_element_type3A_517 : vector<1x2048xi32> to vector<1x2048xf32>
    %transpose3A_519 = tpu.transpose %convert_element_type3A_518, [1, 0] : vector<1x2048xf32> -> vector<2048x1xf32>
    %get3A_520 = arith.constant 0 : index
    %get3A_521 = arith.constant 0 : index
    %get3A_522 = vector.load %arg6[%get3A_520, %get3A_521] : memref<2048x2048xf32, #tpu.memory_space<vmem>>, vector<2048x2048xf32>
    %mul3A_523 = vector.broadcast %transpose3A_519 : vector<2048x1xf32> to vector<2048x2048xf32>
    %mul3A_524 = arith.mulf %get3A_522, %mul3A_523 : vector<2048x2048xf32>
    %reduce_max3A_525 = arith.constant dense<0xFF800000> : vector<2048xf32>
    %reduce_max3A_526 = vector.multi_reduction <maximumf>, %mul3A_524, %reduce_max3A_525 [0] : vector<2048x2048xf32> to vector<2048xf32>
    %broadcast_in_dim3A_527 = vector.shape_cast %reduce_max3A_526 : vector<2048xf32> to vector<1x2048xf32>
    %le3A_528 = arith.constant 0.699999988 : f32
    %le3A_529 = vector.broadcast %le3A_528 : f32 to vector<1x2048xf32>
    %le3A_530 = arith.cmpf ole, %broadcast_in_dim3A_527, %le3A_529 : vector<1x2048xf32>
    %and3A_531 = arith.andi %le3A_530, %and3A_88 : vector<1x2048xi1>
    %convert_element_type3A_532 = arith.extui %and3A_531 : vector<1x2048xi1> to vector<1x2048xi32>
    %convert_element_type3A_533 = arith.sitofp %convert_element_type3A_532 : vector<1x2048xi32> to vector<1x2048xf32>
    %transpose3A_534 = tpu.transpose %convert_element_type3A_533, [1, 0] : vector<1x2048xf32> -> vector<2048x1xf32>
    %get3A_535 = arith.constant 0 : index
    %get3A_536 = arith.constant 0 : index
    %get3A_537 = vector.load %arg6[%get3A_535, %get3A_536] : memref<2048x2048xf32, #tpu.memory_space<vmem>>, vector<2048x2048xf32>
    %mul3A_538 = vector.broadcast %transpose3A_534 : vector<2048x1xf32> to vector<2048x2048xf32>
    %mul3A_539 = arith.mulf %get3A_537, %mul3A_538 : vector<2048x2048xf32>
    %reduce_max3A_540 = arith.constant dense<0xFF800000> : vector<2048xf32>
    %reduce_max3A_541 = vector.multi_reduction <maximumf>, %mul3A_539, %reduce_max3A_540 [0] : vector<2048x2048xf32> to vector<2048xf32>
    %broadcast_in_dim3A_542 = vector.shape_cast %reduce_max3A_541 : vector<2048xf32> to vector<1x2048xf32>
    %le3A_543 = arith.constant 0.699999988 : f32
    %le3A_544 = vector.broadcast %le3A_543 : f32 to vector<1x2048xf32>
    %le3A_545 = arith.cmpf ole, %broadcast_in_dim3A_542, %le3A_544 : vector<1x2048xf32>
    %and3A_546 = arith.andi %le3A_545, %and3A_88 : vector<1x2048xi1>
    %convert_element_type3A_547 = arith.extui %and3A_546 : vector<1x2048xi1> to vector<1x2048xi32>
    %convert_element_type3A_548 = arith.sitofp %convert_element_type3A_547 : vector<1x2048xi32> to vector<1x2048xf32>
    %transpose3A_549 = tpu.transpose %convert_element_type3A_548, [1, 0] : vector<1x2048xf32> -> vector<2048x1xf32>
    %get3A_550 = arith.constant 0 : index
    %get3A_551 = arith.constant 0 : index
    %get3A_552 = vector.load %arg6[%get3A_550, %get3A_551] : memref<2048x2048xf32, #tpu.memory_space<vmem>>, vector<2048x2048xf32>
    %mul3A_553 = vector.broadcast %transpose3A_549 : vector<2048x1xf32> to vector<2048x2048xf32>
    %mul3A_554 = arith.mulf %get3A_552, %mul3A_553 : vector<2048x2048xf32>
    %reduce_max3A_555 = arith.constant dense<0xFF800000> : vector<2048xf32>
    %reduce_max3A_556 = vector.multi_reduction <maximumf>, %mul3A_554, %reduce_max3A_555 [0] : vector<2048x2048xf32> to vector<2048xf32>
    %broadcast_in_dim3A_557 = vector.shape_cast %reduce_max3A_556 : vector<2048xf32> to vector<1x2048xf32>
    %le3A_558 = arith.constant 0.699999988 : f32
    %le3A_559 = vector.broadcast %le3A_558 : f32 to vector<1x2048xf32>
    %le3A_560 = arith.cmpf ole, %broadcast_in_dim3A_557, %le3A_559 : vector<1x2048xf32>
    %and3A_561 = arith.andi %le3A_560, %and3A_88 : vector<1x2048xi1>
    %convert_element_type3A_562 = arith.extui %and3A_561 : vector<1x2048xi1> to vector<1x2048xi32>
    %convert_element_type3A_563 = arith.sitofp %convert_element_type3A_562 : vector<1x2048xi32> to vector<1x2048xf32>
    %transpose3A_564 = tpu.transpose %convert_element_type3A_563, [1, 0] : vector<1x2048xf32> -> vector<2048x1xf32>
    %get3A_565 = arith.constant 0 : index
    %get3A_566 = arith.constant 0 : index
    %get3A_567 = vector.load %arg6[%get3A_565, %get3A_566] : memref<2048x2048xf32, #tpu.memory_space<vmem>>, vector<2048x2048xf32>
    %mul3A_568 = vector.broadcast %transpose3A_564 : vector<2048x1xf32> to vector<2048x2048xf32>
    %mul3A_569 = arith.mulf %get3A_567, %mul3A_568 : vector<2048x2048xf32>
    %reduce_max3A_570 = arith.constant dense<0xFF800000> : vector<2048xf32>
    %reduce_max3A_571 = vector.multi_reduction <maximumf>, %mul3A_569, %reduce_max3A_570 [0] : vector<2048x2048xf32> to vector<2048xf32>
    %broadcast_in_dim3A_572 = vector.shape_cast %reduce_max3A_571 : vector<2048xf32> to vector<1x2048xf32>
    %le3A_573 = arith.constant 0.699999988 : f32
    %le3A_574 = vector.broadcast %le3A_573 : f32 to vector<1x2048xf32>
    %le3A_575 = arith.cmpf ole, %broadcast_in_dim3A_572, %le3A_574 : vector<1x2048xf32>
    %and3A_576 = arith.andi %le3A_575, %and3A_88 : vector<1x2048xi1>
    %convert_element_type3A_577 = arith.extui %and3A_576 : vector<1x2048xi1> to vector<1x2048xi32>
    %convert_element_type3A_578 = arith.sitofp %convert_element_type3A_577 : vector<1x2048xi32> to vector<1x2048xf32>
    %transpose3A_579 = tpu.transpose %convert_element_type3A_578, [1, 0] : vector<1x2048xf32> -> vector<2048x1xf32>
    %get3A_580 = arith.constant 0 : index
    %get3A_581 = arith.constant 0 : index
    %get3A_582 = vector.load %arg6[%get3A_580, %get3A_581] : memref<2048x2048xf32, #tpu.memory_space<vmem>>, vector<2048x2048xf32>
    %mul3A_583 = vector.broadcast %transpose3A_579 : vector<2048x1xf32> to vector<2048x2048xf32>
    %mul3A_584 = arith.mulf %get3A_582, %mul3A_583 : vector<2048x2048xf32>
    %reduce_max3A_585 = arith.constant dense<0xFF800000> : vector<2048xf32>
    %reduce_max3A_586 = vector.multi_reduction <maximumf>, %mul3A_584, %reduce_max3A_585 [0] : vector<2048x2048xf32> to vector<2048xf32>
    %broadcast_in_dim3A_587 = vector.shape_cast %reduce_max3A_586 : vector<2048xf32> to vector<1x2048xf32>
    %le3A_588 = arith.constant 0.699999988 : f32
    %le3A_589 = vector.broadcast %le3A_588 : f32 to vector<1x2048xf32>
    %le3A_590 = arith.cmpf ole, %broadcast_in_dim3A_587, %le3A_589 : vector<1x2048xf32>
    %and3A_591 = arith.andi %le3A_590, %and3A_88 : vector<1x2048xi1>
    %convert_element_type3A_592 = arith.extui %and3A_591 : vector<1x2048xi1> to vector<1x2048xi32>
    %convert_element_type3A_593 = arith.sitofp %convert_element_type3A_592 : vector<1x2048xi32> to vector<1x2048xf32>
    %transpose3A_594 = tpu.transpose %convert_element_type3A_593, [1, 0] : vector<1x2048xf32> -> vector<2048x1xf32>
    %get3A_595 = arith.constant 0 : index
    %get3A_596 = arith.constant 0 : index
    %get3A_597 = vector.load %arg6[%get3A_595, %get3A_596] : memref<2048x2048xf32, #tpu.memory_space<vmem>>, vector<2048x2048xf32>
    %mul3A_598 = vector.broadcast %transpose3A_594 : vector<2048x1xf32> to vector<2048x2048xf32>
    %mul3A_599 = arith.mulf %get3A_597, %mul3A_598 : vector<2048x2048xf32>
    %reduce_max3A_600 = arith.constant dense<0xFF800000> : vector<2048xf32>
    %reduce_max3A_601 = vector.multi_reduction <maximumf>, %mul3A_599, %reduce_max3A_600 [0] : vector<2048x2048xf32> to vector<2048xf32>
    %broadcast_in_dim3A_602 = vector.shape_cast %reduce_max3A_601 : vector<2048xf32> to vector<1x2048xf32>
    %le3A_603 = arith.constant 0.699999988 : f32
    %le3A_604 = vector.broadcast %le3A_603 : f32 to vector<1x2048xf32>
    %le3A_605 = arith.cmpf ole, %broadcast_in_dim3A_602, %le3A_604 : vector<1x2048xf32>
    %and3A_606 = arith.andi %le3A_605, %and3A_88 : vector<1x2048xi1>
    %convert_element_type3A_607 = arith.extui %and3A_606 : vector<1x2048xi1> to vector<1x2048xi32>
    %convert_element_type3A_608 = arith.sitofp %convert_element_type3A_607 : vector<1x2048xi32> to vector<1x2048xf32>
    %transpose3A_609 = tpu.transpose %convert_element_type3A_608, [1, 0] : vector<1x2048xf32> -> vector<2048x1xf32>
    %get3A_610 = arith.constant 0 : index
    %get3A_611 = arith.constant 0 : index
    %get3A_612 = vector.load %arg6[%get3A_610, %get3A_611] : memref<2048x2048xf32, #tpu.memory_space<vmem>>, vector<2048x2048xf32>
    %mul3A_613 = vector.broadcast %transpose3A_609 : vector<2048x1xf32> to vector<2048x2048xf32>
    %mul3A_614 = arith.mulf %get3A_612, %mul3A_613 : vector<2048x2048xf32>
    %reduce_max3A_615 = arith.constant dense<0xFF800000> : vector<2048xf32>
    %reduce_max3A_616 = vector.multi_reduction <maximumf>, %mul3A_614, %reduce_max3A_615 [0] : vector<2048x2048xf32> to vector<2048xf32>
    %broadcast_in_dim3A_617 = vector.shape_cast %reduce_max3A_616 : vector<2048xf32> to vector<1x2048xf32>
    %le3A_618 = arith.constant 0.699999988 : f32
    %le3A_619 = vector.broadcast %le3A_618 : f32 to vector<1x2048xf32>
    %le3A_620 = arith.cmpf ole, %broadcast_in_dim3A_617, %le3A_619 : vector<1x2048xf32>
    %and3A_621 = arith.andi %le3A_620, %and3A_88 : vector<1x2048xi1>
    %convert_element_type3A_622 = arith.extui %and3A_621 : vector<1x2048xi1> to vector<1x2048xi32>
    %convert_element_type3A_623 = arith.sitofp %convert_element_type3A_622 : vector<1x2048xi32> to vector<1x2048xf32>
    %transpose3A_624 = tpu.transpose %convert_element_type3A_623, [1, 0] : vector<1x2048xf32> -> vector<2048x1xf32>
    %get3A_625 = arith.constant 0 : index
    %get3A_626 = arith.constant 0 : index
    %get3A_627 = vector.load %arg6[%get3A_625, %get3A_626] : memref<2048x2048xf32, #tpu.memory_space<vmem>>, vector<2048x2048xf32>
    %mul3A_628 = vector.broadcast %transpose3A_624 : vector<2048x1xf32> to vector<2048x2048xf32>
    %mul3A_629 = arith.mulf %get3A_627, %mul3A_628 : vector<2048x2048xf32>
    %reduce_max3A_630 = arith.constant dense<0xFF800000> : vector<2048xf32>
    %reduce_max3A_631 = vector.multi_reduction <maximumf>, %mul3A_629, %reduce_max3A_630 [0] : vector<2048x2048xf32> to vector<2048xf32>
    %broadcast_in_dim3A_632 = vector.shape_cast %reduce_max3A_631 : vector<2048xf32> to vector<1x2048xf32>
    %le3A_633 = arith.constant 0.699999988 : f32
    %le3A_634 = vector.broadcast %le3A_633 : f32 to vector<1x2048xf32>
    %le3A_635 = arith.cmpf ole, %broadcast_in_dim3A_632, %le3A_634 : vector<1x2048xf32>
    %and3A_636 = arith.andi %le3A_635, %and3A_88 : vector<1x2048xi1>
    %convert_element_type3A_637 = arith.extui %and3A_636 : vector<1x2048xi1> to vector<1x2048xi32>
    %convert_element_type3A_638 = arith.sitofp %convert_element_type3A_637 : vector<1x2048xi32> to vector<1x2048xf32>
    %transpose3A_639 = tpu.transpose %convert_element_type3A_638, [1, 0] : vector<1x2048xf32> -> vector<2048x1xf32>
    %get3A_640 = arith.constant 0 : index
    %get3A_641 = arith.constant 0 : index
    %get3A_642 = vector.load %arg6[%get3A_640, %get3A_641] : memref<2048x2048xf32, #tpu.memory_space<vmem>>, vector<2048x2048xf32>
    %mul3A_643 = vector.broadcast %transpose3A_639 : vector<2048x1xf32> to vector<2048x2048xf32>
    %mul3A_644 = arith.mulf %get3A_642, %mul3A_643 : vector<2048x2048xf32>
    %reduce_max3A_645 = arith.constant dense<0xFF800000> : vector<2048xf32>
    %reduce_max3A_646 = vector.multi_reduction <maximumf>, %mul3A_644, %reduce_max3A_645 [0] : vector<2048x2048xf32> to vector<2048xf32>
    %broadcast_in_dim3A_647 = vector.shape_cast %reduce_max3A_646 : vector<2048xf32> to vector<1x2048xf32>
    %le3A_648 = arith.constant 0.699999988 : f32
    %le3A_649 = vector.broadcast %le3A_648 : f32 to vector<1x2048xf32>
    %le3A_650 = arith.cmpf ole, %broadcast_in_dim3A_647, %le3A_649 : vector<1x2048xf32>
    %and3A_651 = arith.andi %le3A_650, %and3A_88 : vector<1x2048xi1>
    %convert_element_type3A_652 = arith.extui %and3A_651 : vector<1x2048xi1> to vector<1x2048xi32>
    %convert_element_type3A_653 = arith.sitofp %convert_element_type3A_652 : vector<1x2048xi32> to vector<1x2048xf32>
    %transpose3A_654 = tpu.transpose %convert_element_type3A_653, [1, 0] : vector<1x2048xf32> -> vector<2048x1xf32>
    %get3A_655 = arith.constant 0 : index
    %get3A_656 = arith.constant 0 : index
    %get3A_657 = vector.load %arg6[%get3A_655, %get3A_656] : memref<2048x2048xf32, #tpu.memory_space<vmem>>, vector<2048x2048xf32>
    %mul3A_658 = vector.broadcast %transpose3A_654 : vector<2048x1xf32> to vector<2048x2048xf32>
    %mul3A_659 = arith.mulf %get3A_657, %mul3A_658 : vector<2048x2048xf32>
    %reduce_max3A_660 = arith.constant dense<0xFF800000> : vector<2048xf32>
    %reduce_max3A_661 = vector.multi_reduction <maximumf>, %mul3A_659, %reduce_max3A_660 [0] : vector<2048x2048xf32> to vector<2048xf32>
    %broadcast_in_dim3A_662 = vector.shape_cast %reduce_max3A_661 : vector<2048xf32> to vector<1x2048xf32>
    %le3A_663 = arith.constant 0.699999988 : f32
    %le3A_664 = vector.broadcast %le3A_663 : f32 to vector<1x2048xf32>
    %le3A_665 = arith.cmpf ole, %broadcast_in_dim3A_662, %le3A_664 : vector<1x2048xf32>
    %and3A_666 = arith.andi %le3A_665, %and3A_88 : vector<1x2048xi1>
    %convert_element_type3A_667 = arith.extui %and3A_666 : vector<1x2048xi1> to vector<1x2048xi32>
    %convert_element_type3A_668 = arith.sitofp %convert_element_type3A_667 : vector<1x2048xi32> to vector<1x2048xf32>
    %transpose3A_669 = tpu.transpose %convert_element_type3A_668, [1, 0] : vector<1x2048xf32> -> vector<2048x1xf32>
    %get3A_670 = arith.constant 0 : index
    %get3A_671 = arith.constant 0 : index
    %get3A_672 = vector.load %arg6[%get3A_670, %get3A_671] : memref<2048x2048xf32, #tpu.memory_space<vmem>>, vector<2048x2048xf32>
    %mul3A_673 = vector.broadcast %transpose3A_669 : vector<2048x1xf32> to vector<2048x2048xf32>
    %mul3A_674 = arith.mulf %get3A_672, %mul3A_673 : vector<2048x2048xf32>
    %reduce_max3A_675 = arith.constant dense<0xFF800000> : vector<2048xf32>
    %reduce_max3A_676 = vector.multi_reduction <maximumf>, %mul3A_674, %reduce_max3A_675 [0] : vector<2048x2048xf32> to vector<2048xf32>
    %broadcast_in_dim3A_677 = vector.shape_cast %reduce_max3A_676 : vector<2048xf32> to vector<1x2048xf32>
    %le3A_678 = arith.constant 0.699999988 : f32
    %le3A_679 = vector.broadcast %le3A_678 : f32 to vector<1x2048xf32>
    %le3A_680 = arith.cmpf ole, %broadcast_in_dim3A_677, %le3A_679 : vector<1x2048xf32>
    %and3A_681 = arith.andi %le3A_680, %and3A_88 : vector<1x2048xi1>
    %convert_element_type3A_682 = arith.extui %and3A_681 : vector<1x2048xi1> to vector<1x2048xi32>
    %convert_element_type3A_683 = arith.sitofp %convert_element_type3A_682 : vector<1x2048xi32> to vector<1x2048xf32>
    %transpose3A_684 = tpu.transpose %convert_element_type3A_683, [1, 0] : vector<1x2048xf32> -> vector<2048x1xf32>
    %get3A_685 = arith.constant 0 : index
    %get3A_686 = arith.constant 0 : index
    %get3A_687 = vector.load %arg6[%get3A_685, %get3A_686] : memref<2048x2048xf32, #tpu.memory_space<vmem>>, vector<2048x2048xf32>
    %mul3A_688 = vector.broadcast %transpose3A_684 : vector<2048x1xf32> to vector<2048x2048xf32>
    %mul3A_689 = arith.mulf %get3A_687, %mul3A_688 : vector<2048x2048xf32>
    %reduce_max3A_690 = arith.constant dense<0xFF800000> : vector<2048xf32>
    %reduce_max3A_691 = vector.multi_reduction <maximumf>, %mul3A_689, %reduce_max3A_690 [0] : vector<2048x2048xf32> to vector<2048xf32>
    %broadcast_in_dim3A_692 = vector.shape_cast %reduce_max3A_691 : vector<2048xf32> to vector<1x2048xf32>
    %le3A_693 = arith.constant 0.699999988 : f32
    %le3A_694 = vector.broadcast %le3A_693 : f32 to vector<1x2048xf32>
    %le3A_695 = arith.cmpf ole, %broadcast_in_dim3A_692, %le3A_694 : vector<1x2048xf32>
    %and3A_696 = arith.andi %le3A_695, %and3A_88 : vector<1x2048xi1>
    %convert_element_type3A_697 = arith.extui %and3A_696 : vector<1x2048xi1> to vector<1x2048xi32>
    %convert_element_type3A_698 = arith.sitofp %convert_element_type3A_697 : vector<1x2048xi32> to vector<1x2048xf32>
    %transpose3A_699 = tpu.transpose %convert_element_type3A_698, [1, 0] : vector<1x2048xf32> -> vector<2048x1xf32>
    %get3A_700 = arith.constant 0 : index
    %get3A_701 = arith.constant 0 : index
    %get3A_702 = vector.load %arg6[%get3A_700, %get3A_701] : memref<2048x2048xf32, #tpu.memory_space<vmem>>, vector<2048x2048xf32>
    %mul3A_703 = vector.broadcast %transpose3A_699 : vector<2048x1xf32> to vector<2048x2048xf32>
    %mul3A_704 = arith.mulf %get3A_702, %mul3A_703 : vector<2048x2048xf32>
    %reduce_max3A_705 = arith.constant dense<0xFF800000> : vector<2048xf32>
    %reduce_max3A_706 = vector.multi_reduction <maximumf>, %mul3A_704, %reduce_max3A_705 [0] : vector<2048x2048xf32> to vector<2048xf32>
    %broadcast_in_dim3A_707 = vector.shape_cast %reduce_max3A_706 : vector<2048xf32> to vector<1x2048xf32>
    %le3A_708 = arith.constant 0.699999988 : f32
    %le3A_709 = vector.broadcast %le3A_708 : f32 to vector<1x2048xf32>
    %le3A_710 = arith.cmpf ole, %broadcast_in_dim3A_707, %le3A_709 : vector<1x2048xf32>
    %and3A_711 = arith.andi %le3A_710, %and3A_88 : vector<1x2048xi1>
    %convert_element_type3A_712 = arith.extui %and3A_711 : vector<1x2048xi1> to vector<1x2048xi32>
    %convert_element_type3A_713 = arith.sitofp %convert_element_type3A_712 : vector<1x2048xi32> to vector<1x2048xf32>
    %transpose3A_714 = tpu.transpose %convert_element_type3A_713, [1, 0] : vector<1x2048xf32> -> vector<2048x1xf32>
    %get3A_715 = arith.constant 0 : index
    %get3A_716 = arith.constant 0 : index
    %get3A_717 = vector.load %arg6[%get3A_715, %get3A_716] : memref<2048x2048xf32, #tpu.memory_space<vmem>>, vector<2048x2048xf32>
    %mul3A_718 = vector.broadcast %transpose3A_714 : vector<2048x1xf32> to vector<2048x2048xf32>
    %mul3A_719 = arith.mulf %get3A_717, %mul3A_718 : vector<2048x2048xf32>
    %reduce_max3A_720 = arith.constant dense<0xFF800000> : vector<2048xf32>
    %reduce_max3A_721 = vector.multi_reduction <maximumf>, %mul3A_719, %reduce_max3A_720 [0] : vector<2048x2048xf32> to vector<2048xf32>
    %broadcast_in_dim3A_722 = vector.shape_cast %reduce_max3A_721 : vector<2048xf32> to vector<1x2048xf32>
    %le3A_723 = arith.constant 0.699999988 : f32
    %le3A_724 = vector.broadcast %le3A_723 : f32 to vector<1x2048xf32>
    %le3A_725 = arith.cmpf ole, %broadcast_in_dim3A_722, %le3A_724 : vector<1x2048xf32>
    %and3A_726 = arith.andi %le3A_725, %and3A_88 : vector<1x2048xi1>
    %convert_element_type3A_727 = arith.extui %and3A_726 : vector<1x2048xi1> to vector<1x2048xi32>
    %convert_element_type3A_728 = arith.sitofp %convert_element_type3A_727 : vector<1x2048xi32> to vector<1x2048xf32>
    %transpose3A_729 = tpu.transpose %convert_element_type3A_728, [1, 0] : vector<1x2048xf32> -> vector<2048x1xf32>
    %get3A_730 = arith.constant 0 : index
    %get3A_731 = arith.constant 0 : index
    %get3A_732 = vector.load %arg6[%get3A_730, %get3A_731] : memref<2048x2048xf32, #tpu.memory_space<vmem>>, vector<2048x2048xf32>
    %mul3A_733 = vector.broadcast %transpose3A_729 : vector<2048x1xf32> to vector<2048x2048xf32>
    %mul3A_734 = arith.mulf %get3A_732, %mul3A_733 : vector<2048x2048xf32>
    %reduce_max3A_735 = arith.constant dense<0xFF800000> : vector<2048xf32>
    %reduce_max3A_736 = vector.multi_reduction <maximumf>, %mul3A_734, %reduce_max3A_735 [0] : vector<2048x2048xf32> to vector<2048xf32>
    %broadcast_in_dim3A_737 = vector.shape_cast %reduce_max3A_736 : vector<2048xf32> to vector<1x2048xf32>
    %le3A_738 = arith.constant 0.699999988 : f32
    %le3A_739 = vector.broadcast %le3A_738 : f32 to vector<1x2048xf32>
    %le3A_740 = arith.cmpf ole, %broadcast_in_dim3A_737, %le3A_739 : vector<1x2048xf32>
    %and3A_741 = arith.andi %le3A_740, %and3A_88 : vector<1x2048xi1>
    %convert_element_type3A_742 = arith.extui %and3A_741 : vector<1x2048xi1> to vector<1x2048xi32>
    %convert_element_type3A_743 = arith.sitofp %convert_element_type3A_742 : vector<1x2048xi32> to vector<1x2048xf32>
    %transpose3A_744 = tpu.transpose %convert_element_type3A_743, [1, 0] : vector<1x2048xf32> -> vector<2048x1xf32>
    %get3A_745 = arith.constant 0 : index
    %get3A_746 = arith.constant 0 : index
    %get3A_747 = vector.load %arg6[%get3A_745, %get3A_746] : memref<2048x2048xf32, #tpu.memory_space<vmem>>, vector<2048x2048xf32>
    %mul3A_748 = vector.broadcast %transpose3A_744 : vector<2048x1xf32> to vector<2048x2048xf32>
    %mul3A_749 = arith.mulf %get3A_747, %mul3A_748 : vector<2048x2048xf32>
    %reduce_max3A_750 = arith.constant dense<0xFF800000> : vector<2048xf32>
    %reduce_max3A_751 = vector.multi_reduction <maximumf>, %mul3A_749, %reduce_max3A_750 [0] : vector<2048x2048xf32> to vector<2048xf32>
    %broadcast_in_dim3A_752 = vector.shape_cast %reduce_max3A_751 : vector<2048xf32> to vector<1x2048xf32>
    %le3A_753 = arith.constant 0.699999988 : f32
    %le3A_754 = vector.broadcast %le3A_753 : f32 to vector<1x2048xf32>
    %le3A_755 = arith.cmpf ole, %broadcast_in_dim3A_752, %le3A_754 : vector<1x2048xf32>
    %and3A_756 = arith.andi %le3A_755, %and3A_88 : vector<1x2048xi1>
    %convert_element_type3A_757 = arith.extui %and3A_756 : vector<1x2048xi1> to vector<1x2048xi32>
    %convert_element_type3A_758 = arith.sitofp %convert_element_type3A_757 : vector<1x2048xi32> to vector<1x2048xf32>
    %transpose3A_759 = tpu.transpose %convert_element_type3A_758, [1, 0] : vector<1x2048xf32> -> vector<2048x1xf32>
    %get3A_760 = arith.constant 0 : index
    %get3A_761 = arith.constant 0 : index
    %get3A_762 = vector.load %arg6[%get3A_760, %get3A_761] : memref<2048x2048xf32, #tpu.memory_space<vmem>>, vector<2048x2048xf32>
    %mul3A_763 = vector.broadcast %transpose3A_759 : vector<2048x1xf32> to vector<2048x2048xf32>
    %mul3A_764 = arith.mulf %get3A_762, %mul3A_763 : vector<2048x2048xf32>
    %reduce_max3A_765 = arith.constant dense<0xFF800000> : vector<2048xf32>
    %reduce_max3A_766 = vector.multi_reduction <maximumf>, %mul3A_764, %reduce_max3A_765 [0] : vector<2048x2048xf32> to vector<2048xf32>
    %broadcast_in_dim3A_767 = vector.shape_cast %reduce_max3A_766 : vector<2048xf32> to vector<1x2048xf32>
    %le3A_768 = arith.constant 0.699999988 : f32
    %le3A_769 = vector.broadcast %le3A_768 : f32 to vector<1x2048xf32>
    %le3A_770 = arith.cmpf ole, %broadcast_in_dim3A_767, %le3A_769 : vector<1x2048xf32>
    %and3A_771 = arith.andi %le3A_770, %and3A_88 : vector<1x2048xi1>
    %swap3A_772 = arith.constant 0 : index
    %swap3A_773 = arith.constant 0 : index
    %swap3A_774 = arith.constant 0 : index
    %swap3A_775 = vector.load %arg4[%swap3A_772, %swap3A_773, %swap3A_774] : memref<1x5x2048xf32, #tpu.memory_space<vmem>>, vector<1x1x2048xf32>
    %swap3A_776 = vector.shape_cast %swap3A_775 : vector<1x1x2048xf32> to vector<1x2048xf32>
    %swap3A_777 = vector.shape_cast %min3A_73 : vector<1x2048xf32> to vector<1x1x2048xf32>
    tpu.vector_store %arg4[%swap3A_772, %swap3A_773, %swap3A_774], %swap3A_777 {strides = array<i32>} : memref<1x5x2048xf32, #tpu.memory_space<vmem>>, vector<1x1x2048xf32>,
    %swap3A_778 = arith.constant 0 : index
    %swap3A_779 = arith.constant 1 : index
    %swap3A_780 = arith.constant 0 : index
    %swap3A_781 = vector.load %arg4[%swap3A_778, %swap3A_779, %swap3A_780] : memref<1x5x2048xf32, #tpu.memory_space<vmem>>, vector<1x1x2048xf32>
    %swap3A_782 = vector.shape_cast %swap3A_781 : vector<1x1x2048xf32> to vector<1x2048xf32>
    %swap3A_783 = vector.shape_cast %min3A_79 : vector<1x2048xf32> to vector<1x1x2048xf32>
    tpu.vector_store %arg4[%swap3A_778, %swap3A_779, %swap3A_780], %swap3A_783 {strides = array<i32>} : memref<1x5x2048xf32, #tpu.memory_space<vmem>>, vector<1x1x2048xf32>,
    %swap3A_784 = arith.constant 0 : index
    %swap3A_785 = arith.constant 2 : index
    %swap3A_786 = arith.constant 0 : index
    %swap3A_787 = vector.load %arg4[%swap3A_784, %swap3A_785, %swap3A_786] : memref<1x5x2048xf32, #tpu.memory_space<vmem>>, vector<1x1x2048xf32>
    %swap3A_788 = vector.shape_cast %swap3A_787 : vector<1x1x2048xf32> to vector<1x2048xf32>
    %swap3A_789 = vector.shape_cast %add3A_69 : vector<1x2048xf32> to vector<1x1x2048xf32>
    tpu.vector_store %arg4[%swap3A_784, %swap3A_785, %swap3A_786], %swap3A_789 {strides = array<i32>} : memref<1x5x2048xf32, #tpu.memory_space<vmem>>, vector<1x1x2048xf32>,
    %swap3A_790 = arith.constant 0 : index
    %swap3A_791 = arith.constant 3 : index
    %swap3A_792 = arith.constant 0 : index
    %swap3A_793 = vector.load %arg4[%swap3A_790, %swap3A_791, %swap3A_792] : memref<1x5x2048xf32, #tpu.memory_space<vmem>>, vector<1x1x2048xf32>
    %swap3A_794 = vector.shape_cast %swap3A_793 : vector<1x1x2048xf32> to vector<1x2048xf32>
    %swap3A_795 = vector.shape_cast %add3A_70 : vector<1x2048xf32> to vector<1x1x2048xf32>
    tpu.vector_store %arg4[%swap3A_790, %swap3A_791, %swap3A_792], %swap3A_795 {strides = array<i32>} : memref<1x5x2048xf32, #tpu.memory_space<vmem>>, vector<1x1x2048xf32>,
    %swap3A_796 = arith.constant 0 : index
    %swap3A_797 = arith.constant 4 : index
    %swap3A_798 = arith.constant 0 : index
    %swap3A_799 = vector.load %arg4[%swap3A_796, %swap3A_797, %swap3A_798] : memref<1x5x2048xf32, #tpu.memory_space<vmem>>, vector<1x1x2048xf32>
    %swap3A_800 = vector.shape_cast %swap3A_799 : vector<1x1x2048xf32> to vector<1x2048xf32>
    %swap3A_801 = vector.shape_cast %get3A_59 : vector<1x2048xf32> to vector<1x1x2048xf32>
    tpu.vector_store %arg4[%swap3A_796, %swap3A_797, %swap3A_798], %swap3A_801 {strides = array<i32>} : memref<1x5x2048xf32, #tpu.memory_space<vmem>>, vector<1x1x2048xf32>,
    %jit3A_802 = arith.constant 0xFF800000 : f32
    %broadcast_in_dim3A_803 = vector.broadcast %jit3A_802 : f32 to vector<1x2048xf32>
    %select_n3A_804 = arith.select %and3A_771, %get3A_8, %broadcast_in_dim3A_803 : vector<1x2048xi1>, vector<1x2048xf32>
    %swap3A_805 = arith.constant 0 : index
    %swap3A_806 = arith.constant 0 : index
    %swap3A_807 = arith.constant 0 : index
    %swap3A_808 = vector.load %arg5[%swap3A_805, %swap3A_806, %swap3A_807] : memref<1x1x2048xf32, #tpu.memory_space<vmem>>, vector<1x1x2048xf32>
    %swap3A_809 = vector.shape_cast %swap3A_808 : vector<1x1x2048xf32> to vector<1x2048xf32>
    %swap3A_810 = vector.shape_cast %select_n3A_804 : vector<1x2048xf32> to vector<1x1x2048xf32>
    tpu.vector_store %arg5[%swap3A_805, %swap3A_806, %swap3A_807], %swap3A_810 {strides = array<i32>} : memref<1x1x2048xf32, #tpu.memory_space<vmem>>, vector<1x1x2048xf32>,
    return
  }
  func.func @transform_0(%arg0: i32) -> (i32, i32, i32) {
    %c0_i32 = arith.constant 0 : i32
    %c0_i32_0 = arith.constant 0 : i32
    %c0_i32_1 = arith.constant 0 : i32
    return %arg0, %c0_i32, %c0_i32_0 : i32, i32, i32
  }
  func.func @transform_1(%arg0: i32) -> (i32, i32, i32) {
    %c0_i32 = arith.constant 0 : i32
    %c0_i32_0 = arith.constant 0 : i32
    %c0_i32_1 = arith.constant 0 : i32
    return %arg0, %c0_i32, %c0_i32_0 : i32, i32, i32
  }
  func.func @transform_2(%arg0: i32) -> (i32, i32, i32) {
    %c0_i32 = arith.constant 0 : i32
    %c0_i32_0 = arith.constant 0 : i32
    %c0_i32_1 = arith.constant 0 : i32
    return %arg0, %c0_i32, %c0_i32_0 : i32, i32, i32
  }
  func.func @transform_3(%arg0: i32) -> (i32, i32, i32) {
    %c0_i32 = arith.constant 0 : i32
    %c0_i32_0 = arith.constant 0 : i32
    %c0_i32_1 = arith.constant 0 : i32
    return %arg0, %c0_i32, %c0_i32_0 : i32, i32, i32
  }
  func.func @transform_4(%arg0: i32) -> (i32, i32, i32) {
    %c0_i32 = arith.constant 0 : i32
    %c0_i32_0 = arith.constant 0 : i32
    %c0_i32_1 = arith.constant 0 : i32
    return %arg0, %c0_i32, %c0_i32_0 : i32, i32, i32
  }
}

</mosaic_0001>

<sc_bundles>
// kernel: gather_offload_async_start.1
scs
__scs_entry_jumppad:
0x0: {  	(pc) =	sbr.rel $0x88, $3  }
0x1: {  	(tag) =	ssettag $0x0;
	lr =	simm.s32 $0x1  }
0x2: {  	[smem:$0x3F9F] =	sst lr;
	_ =	strace $0xD0000000  }
0x3: {  	_ = 	snop  }
0x4: {  	_ = 	snop  }
0x5: {  	_ = 	snop  }
0x6: {  	_ = 	snop  }
0x7: {  	_ = 	snop  }
__scs_overlays_trampoline_lowered:
0x8: {  	[smem:$0x3FAE] =	sst s0  }
0x9: {  	[smem:$0x3FAF] =	sst s1  }
0xa: {  	[smem:$0x3FB0] =	sst s2  }
0xb: {  	[smem:$0x3FB1] =	sst s3  }
0xc: {  	[smem:$0x3FB2] =	sst s4  }
0xd: {  	[smem:$0x3FB3] =	sst s5  }
0xe: {  	[smem:$0x3FB4] =	sst s6  }
0xf: {  	[smem:$0x3FB5] =	sst s7  }
0x10: {  	[smem:$0x3FB6] =	sst s8  }
0x11: {  	[smem:$0x3FB7] =	sst s9;
	s0 =	simm.s32 @!p0 $0x0  }
0x12: {  	s1 =	sld [smem:$0x3F9D];
	s0 =	simm.s32 @p0 $0x1  }
0x13: {  	[smem:$0x3FB8] =	sst s0;
	s0 =	simm.s32 @!p1 $0x0  }
0x14: {  	s2 =	sld [smem:$0x3F9C];
	s0 =	simm.s32 @p1 $0x1  }
0x15: {  	[smem:$0x3FB9] =	sst s0;
	s0 =	simm.s32 @!p2 $0x0  }
0x16: {  	s3 =	sld [smem:$0x3FDB];
	s0 =	simm.s32 @p2 $0x1  }
0x17: {  	s4 =	simm.s32 $0x1BF5;
	[smem:$0x3FBB] =	sst s0  }
0x18: {  	s0 =	sld [smem:$0x3F9E];
	_ =	swait.ge [sflag:s4], $0x0  }
0x19: {  	s7 =	sld [smem:$0x3F9F]  }
0x1a: {  	s8 =	sadd.s32 $0xFFFFE003, lr  }
0x1b: {  	s9 =	sadd.s32 $0xFFFFFEF7, lr;
	s5 =	simm.s32 $0xFFFFFFFF;
	p2 =	slt.u32 s8, $0xFFFFF086  }
0x1c: {  	p1 =	slt.u32 s9, $0xF7A;
	s5 =	simm.s32 @!p2 $0x0  }
0x1d: {  	s5 =	simm.s32 @p1 $0x1;
	p0 =	seq.s32 s7, s2  }
0x1e: {  	s7 =	smul.u32 @!p0 $0xF7A, s2;
	p2 =	seq.s32 @!p0 s5, $0x0  }
0x1f: {  	s9 =	smul.u32 $0xF7A, s1;
	s8 =	simm.s32 @!p0 $0x1BF5;
	p2 =	por !p2, p0  }
0x20: {  	[sflag:s8] =	ssyncset.s32 @!p0 $0xFFFFF086;
	s6 =	sadd.s32 @!p0 s3, s7;
	s7 =	simm.s32 @!p0 $0x108  }
0x21: {  	s3 =	sadd.s32 s3, s9;
	s6 =	sadd.s32 @!p0 $0x88, s6;
	s7 =	simm.s32 @p2 $0x1082  }
0x22: {  	[simem:s7], [sflag:s8] =	dma.local @!p0 [hbm:s6], $0xF7A  }
0x23: {  	s9 =	sor.u32 $0xD0000000, s2;
	s6 =	simm.s32 $0x108;
	_ =	swait.ge @!p0 [sflag:s8], $0x0  }
0x24: {  	s3 =	sadd.s32 $0x88, s3;
	s6 =	simm.s32 @!p1 $0x1082;
	[sflag:s4] =	ssyncset.s32 $0xFFFFF086  }
0x25: {  	[simem:s6], [sflag:s4] =	dma.local [hbm:s3], $0xF7A  }
0x26: {  	[smem:$0x3F9F] =	sst s1;
	(tag) =	ssettag s2;
	_ =	strace s9  }
0x27: {  	s1 =	sld [smem:$0x3FAF]  }
0x28: {  	s2 =	sld [smem:$0x3FB0]  }
0x29: {  	s4 =	sld [smem:$0x3FB2]  }
0x2a: {  	p0 =	seq.s32 s5, $0x0;
	s5 =	sld [smem:$0x3FB3]  }
0x2b: {  	s6 =	sld [smem:$0x3FB4]  }
0x2c: {  	s7 =	sld [smem:$0x3FB5]  }
0x2d: {  	s3 =	simm.s32 $0x108;
	s8 =	sld [smem:$0x3FB6]  }
0x2e: {  	s3 =	simm.s32 @!p0 $0x1082;
	s9 =	sld [smem:$0x3FB7]  }
0x2f: {  	lr =	sadd.s32 s0, s3;
	s0 =	sld [smem:$0x3FAE]  }
0x30: {  	s3 =	sld [smem:$0x3FB1]  }
0x31: {  	[smem:$0x3FBA] =	sst s10  }
0x32: {  	s10 =	sld [smem:$0x3FB8];
	_ =	sdelay $0x3  }
0x33: {  	p0 =	seq.s32 s10, $0x1;
	s10 =	sld [smem:$0x3FBA];
	_ =	sdelay $0x3  }
0x34: {  	[smem:$0x3FBA] =	sst s10  }
0x35: {  	s10 =	sld [smem:$0x3FB9];
	_ =	sdelay $0x3  }
0x36: {  	p1 =	seq.s32 s10, $0x1;
	s10 =	sld [smem:$0x3FBA];
	_ =	sdelay $0x3  }
0x37: {  	[smem:$0x3FBA] =	sst s10  }
0x38: {  	s10 =	sld [smem:$0x3FBB]  }
0x39: {  	_ = 	snop;
	(pc) =	sbr.ind lr, $3  }
0x3a: {  	_ = 	snop  }
0x3b: {  	_ = 	snop  }
0x3c: {  	p2 =	seq.s32 s10, $0x1;
	s10 =	sld [smem:$0x3FBA]  }
0x3d: {  	_ =	shalt  }
0x3e: {  	_ =	shalt  }
0x3f: {  	_ =	shalt  }
0x40: {  	_ =	shalt  }
0x41: {  	_ =	shalt  }
0x42: {  	_ =	shalt  }
0x43: {  	_ =	shalt  }
0x44: {  	_ =	shalt  }
0x45: {  	_ =	shalt  }
0x46: {  	_ =	shalt  }
0x47: {  	_ =	shalt  }
0x48: {  	_ =	shalt  }
0x49: {  	_ =	shalt  }
0x4a: {  	_ =	shalt  }
0x4b: {  	_ =	shalt  }
0x4c: {  	_ =	shalt  }
0x4d: {  	_ =	shalt  }
0x4e: {  	_ =	shalt  }
0x4f: {  	_ =	shalt  }
0x50: {  	_ =	shalt  }
0x51: {  	_ =	shalt  }
0x52: {  	_ =	shalt  }
0x53: {  	_ =	shalt  }
0x54: {  	_ =	shalt  }
0x55: {  	_ =	shalt  }
0x56: {  	_ =	shalt  }
0x57: {  	_ =	shalt  }
0x58: {  	_ =	shalt  }
0x59: {  	_ =	shalt  }
0x5a: {  	_ =	shalt  }
0x5b: {  	_ =	shalt  }
0x5c: {  	_ =	shalt  }
0x5d: {  	_ =	shalt  }
0x5e: {  	_ =	shalt  }
0x5f: {  	_ =	shalt  }
0x60: {  	_ =	shalt  }
0x61: {  	_ =	shalt  }
0x62: {  	_ =	shalt  }
0x63: {  	_ =	shalt  }
0x64: {  	_ =	shalt  }
0x65: {  	_ =	shalt  }
0x66: {  	_ =	shalt  }
0x67: {  	_ =	shalt  }
0x68: {  	_ =	shalt  }
0x69: {  	_ =	shalt  }
0x6a: {  	_ =	shalt  }
0x6b: {  	_ =	shalt  }
0x6c: {  	_ =	shalt  }
0x6d: {  	_ =	shalt  }
0x6e: {  	_ =	shalt  }
0x6f: {  	_ =	shalt  }
0x70: {  	_ =	shalt  }
0x71: {  	_ =	shalt  }
0x72: {  	_ =	shalt  }
0x73: {  	_ =	shalt  }
0x74: {  	_ =	shalt  }
0x75: {  	_ =	shalt  }
0x76: {  	_ =	shalt  }
0x77: {  	_ =	shalt  }
0x78: {  	_ =	shalt  }
0x79: {  	_ =	shalt  }
0x7a: {  	_ =	shalt  }
0x7b: {  	_ =	shalt  }
0x7c: {  	_ =	shalt  }
0x7d: {  	_ =	shalt  }
0x7e: {  	_ =	shalt  }
0x7f: {  	_ =	shalt  }
0x80: {  	_ =	shalt  }
0x81: {  	_ =	shalt  }
0x82: {  	_ =	shalt  }
0x83: {  	_ =	shalt  }
0x84: {  	_ =	shalt  }
0x85: {  	_ =	shalt  }
0x86: {  	_ =	shalt  }
0x87: {  	_ =	shalt  }
.Lfunc_end0:
.L_simem_size_0:
called_computation.1_lowered:
.L_overlay_start_0:
0x88: {  	s0 =	sld [smem:$0x3FD9]  }
0x89: {  	s1 =	sld [smem:$0x3FFE];
	_ =	sdelay $0x3  }
0x8a: {  	s0 =	sadd.s32 s1, s0  }
0x8b: {  	[smem:$0x3FC6] =	sst s0  }
0x8c: {  	_ = 	snop  }
0x8d: {  	s0 =	sld [smem:$0x3FD0];
	(tm) =	ssettm $0x1  }
0x8e: {  	s16 =	sld [smem:$0x3FFB];
	_ =	sdelay $0x3  }
0x8f: {  	_ =	strace s16  }
0x90: {  	s1 =	sld [smem:$0x3FFC];
	_ =	sdelay $0x3  }
0x91: {  	_ =	strace s1  }
0x92: {  	s1 =	sld [smem:$0x3FFD];
	_ =	sdelay $0x3  }
0x93: {  	_ =	strace s1  }
0x94: {  	_ =	strace $0x8FFFFFFF  }
0x95: {  	s17 =	sld [smem:$0x3FDB];
	_ =	sdelay $0x1  }
0x96: {  	s2 =	simm.s32 $_scs_section_size  }
0x97: {  	s3 =	simm.s32 $_size__tile_overlayer_lowered;
	s4 =	simm.s32 $_tile_overlayer_lowered  }
0x98: {  	s20 =	simm.s32 $0x1BFF;
	s19 =	sshll.u32 s4, $0x1;
	s1 =	sadd.s32 s2, s17  }
0x99: {  	s5 =	simm.s32 $0x0;
	s18 =	sshll.u32 s3, $0x1;
	s3 =	sadd.s32 s19, s1  }
0x9a: {  	[timem:s5], [sflag:s20] =	dma.local [hbm:s3], s18  }
0x9b: {  	_ =	swait.ge [sflag:s20], s18  }
0x9c: {  	s2 =	ssub.s32 $0x0, s18;
	[sflag:s20] =	ssyncset.done $0x0  }
0x9d: {  	[sflag:s20] =	ssyncadd.s32 s2;
	_ =	sdelay $0x1  }
0x9e: {  	s21 =	simm.s32 $0x1B8B  }
0x9f: {  	_ =	swait.ge [sflag:s21], $0x1  }
0xa0: {  	[sflag:s21] =	ssyncset.done $0x0  }
0xa1: {  	s23 =	simm.s32 $0x1B8E;
	s22 =	sld [smem:$0x3FFE];
	[sflag:s21] =	ssyncadd.s32 $0xFFFFFFFF  }
0xa2: {  	s24 =	simm.s32 $execute0_lowered;
	[smem:$0x3FD2] =	sst s23  }
0xa3: {  	s3 =	sshll.u32 s24, $0x1;
	_ =	strace $0x80000049;
	[dreg:$0x1] =	wrdreg $0xFFFFFFFF  }
0xa4: {  	s25 =	simm.s32 $_size_execute0_lowered;
	s1 =	sadd.s32 s1, s3;
	[dreg:$0x0] =	wrdreg $0x0  }
0xa5: {  	s3 =	sshll.u32 s25, $0x1;
	[dreg:$0x2] =	wrdreg s1  }
0xa6: {  	[dreg:$0x3] =	wrdreg s3  }
0xa7: {  	[dreg:$0x4] =	wrdreg $0xC0  }
0xa8: {  	_ =	task [dreg:s5], $0x5FFFF  }
0xa9: {  	[dreg:$0x1] =	wrdreg $0xFFFFFFFF  }
0xaa: {  	[dreg:$0x0] =	wrdreg $0x60  }
0xab: {  	[dreg:$0x2] =	wrdreg s22  }
0xac: {  	[dreg:$0x3] =	wrdreg s0  }
0xad: {  	[dreg:$0x4] =	wrdreg $0x9  }
0xae: {  	_ =	task.clear_ibuf [dreg:s5], $0x5FFFF;
	_ =	strace $0x90000049  }
0xaf: {  	s26 =	simm.s32 $0x9;
	_ =	strace $0x8000004B  }
0xb0: {  	_ =	swait.ge [sflag:s26], $0x1  }
0xb1: {  	[sflag:s26] =	ssyncadd.s32 $0xFFFFFFFF  }
0xb2: {  	_ =	strace $0x9000004B  }
0xb3: {  	_ =	sfence  }
0xb4: {  	s28 =	sld [smem:$0x0];
	_ =	sdelay $0x1  }
0xb5: {  	s29 =	srdreg.scid  }
0xb6: {  	s30 =	sshll.u32 s29, $0xD;
	s31 =	sshrl.u32 s29, $0x2  }
0xb7: {  	s2 =	sand.u32 $0x4000, s30;
	s1 =	sand.u32 $0x1, s29;
	s0 =	sadd.s32 s31, s28  }
0xb8: {  	s1 =	sor.u32 s2, s1;
	s0 =	sshll.u32 s0, $0x11  }
0xb9: {  	s0 =	sor.u32 s0, s1  }
0xba: {  	s0 =	sadd.s32 $0x8F2B, s0  }
0xbb: {  	[sflag:s0] =	ssyncadd.remote.s32 $0x1  }
0xbc: {  	_ =	sfence.sel $0xFFFF  }
0xbd: {  	[dreg:$0x0] =	wrdreg $0xFFFFFFFF;
	(pc) =	sbr.abs _section_cstart, $3  }
0xbe: {  	[dreg:$0x1] =	wrdreg $0xFFFFFFFF  }
0xbf: {  	_ =	task.clear_ibuf [dreg:s5], $0x2FFFF;
	_ =	strace $0x9FFFFFFF  }
0xc0: {  	(tm) =	ssettm $0x7FFFFFFF  }
0xc1: {  	_ =	shalt  }
tec
execute0_lowered:
.L_overlay_start_1:
0x0: {  	(tag) =	ssettag $0x1  }
0x1: {  	s0 =	stileid.u32  }
0x2: {  	s1 =	smin.u32 s0, $0x9  }
0x3: {  	s1 =	sadd.s32 s0, s1  }
0x4: {  	s2 =	simm.s32 $0xA0;
	p0 =	slt.u32 s0, $0x9;
	s1 =	smul.u32 $0x50, s1  }
0x5: {  	s2 =	simm.s32 @!p0 $0x50  }
0x6: {  	s2 =	sadd.s32 s2, s1  }
0x7: {  	s3 =	smin.u32 s2, $0x7D0  }
0x8: {  	s7 =	ssub.s32 s3, s1  }
0x9: {  	p0 =	sgt.s32 s7, $0x0  }
0xa: {  	s7 =	simm.s32 @!p0 $0x0  }
0xb: {  	s4 =	rddreg [dreg:$0x0];
	s31 =	smul.u32 $0xCCCD, s7  }
0xc: {  	s5 =	rddreg [dreg:$0x1]  }
0xd: {  	s6 =	simm.s32 $0x1;
	s10 =	simm.s32 $0x3;
	s8 =	sshrl.u32 s31, $0x16  }
0xe: {  	s13 =	simm.s32 $0x0;
	s12 =	simm.s32 $0x0;
	s9 =	smul.u32 $0x50, s8  }
.Ltmp0:
0xf: {  	s11 =	smov.u32 s1;
	s2 =	rddreg [dreg:$0x2];
	(pc) =	sbr.rel .LBB2_1-.Ltmp0, $4  }
0x10: {  	_ =	strace $0x8000004A;
	p0 =	sne.s32 s7, s9;
	s9 =	simm.s32 $0x1  }
0x11: {  	[sflag:s6] =	ssyncpa.u1 $0x0;
	s7 =	simm.s32 $0x2;
	s9 =	simm.s32 @!p0 $0x0  }
0x12: {  	[sflag:s7] =	ssyncpa.u1 $0x0;
	p0 =	por $0x0, $0x0;
	s8 =	sadd.s32 s8, s9  }
0x13: {  	vm0 =	vmmov $0xff;
	vm1 =	vcmask $0x3F20;
	s9 =	sadd.s32 $0x10000, s4;
	[sflag:s10] =	ssyncpa.u1 $0x0;
	s10 =	sadd.s32 $0x1, s8  }
.LBB2_6:
0x14: {  	[hbm:s17] =	stream.linear.scatter [tilespmem:s14], [sflag:$0x3], $0x400, $0x38;
	[tilespmem:$0x50A0] =	vst v63  }
.LBB2_7:
0x15: {  	s13 =	sadd.s32 $0x50, s11  }
0x16: {  	s15 =	smov.u32 s1;
	p2 =	slt.s32 s13, s3  }
0x17: {  	s15 =	smov.u32 @p2 s13;
	p2 =	sne.s32 s12, s10  }
.Ltmp1:
0x18: {  	p1 =	slt.u32 s12, $0x2;
	(pc) =	sbr.rel @!p2 .LBB2_8-.Ltmp1, $4  }
0x19: {  	s14 =	simm.s32 @!p1 $0x3  }
0x1a: {  	s16 =	sadd.s32 $0x1, s12;
	_ =	swait.ge @!p1 [sflag:s14], $0x2800  }
0x1b: {  	p0 =	por !p0, !p0;
	s13 =	smov.u32 s11;
	[sflag:s14] =	ssyncset.done @!p1 $0x0  }
0x1c: {  	s12 =	smov.u32 s16;
	s11 =	smov.u32 s15;
	[sflag:s14] =	ssyncadd.s32 @!p1 $0xFFFFD800  }
.LBB2_1:
0x1d: {  	p1 =	sge.u32 s12, s8  }
0x1e: {  	s14 =	sxor.u32 @!p1 $0xFFFFFFFF, s12  }
0x1f: {  	s14 =	sand.u32 @!p1 $0x1, s14  }
0x20: {  	s14 =	smul.u32 @!p1 $0x140, s14  }
0x21: {  	s31 =	sadd.s32 $0xFFFFFFFF, s12;
	s15 =	sshrl.u32 @!p1 s11, $0x3  }
0x22: {  	s16 =	sand.u32 @!p1 $0x7, s11;
	s15 =	sadd.s32 @!p1 s5, s15;
	s14 =	sshrl.u32 @!p1 s14, $0x2  }
0x23: {  	[tilespmem:s14], [sflag:$0x2] =	stream.linear.gather @!p1 [hbm4b:s15+s16], $0x50, $0x38;
	[tilespmem:$0x50A0] =	vst v63  }
0x24: {  	p1 =	sge.u32 s31, s8  }
.Ltmp2:
0x25: {  	_ = 	snop;
	(pc) =	sbr.rel @p1 .LBB2_7-.Ltmp2, $1  }
0x26: {  	_ =	sdelay $0x3  }
0x27: {  	s14 =	simm.s32 $0x1  }
0x28: {  	s14 =	simm.s32 @!p0 $0x0  }
0x29: {  	s15 =	smul.u32 $0x140, s14  }
0x2a: {  	_ =	swait.ge [sflag:s7], $0x50  }
0x2b: {  	[sflag:s7] =	ssyncset.done $0x0;
	s16 =	sshrl.u32 s15, $0x2  }
0x2c: {  	[sflag:s7] =	ssyncadd.s32 $0xFFFFFFB0;
	s15 =	sadd.s32 $0x0, s16  }
0x2d: {  	v0 =	vld.msk [tilespmem:s15+$0x0 ss:$0x1], $0xffff;
	_ =	sdelay $0x4  }
0x2e: {  	v1 =	vshll.u32 v0, $0x6  }
0x2f: {  	vm2 =	veq.s32 v0, $0x80000000;
	v0 =	vshll.u32 v0, $0x12;
	v1 =	vand.u32 $0x3FF80, v1  }
0x30: {  	v0 =	vand.u32 $0x40000, v0;
	v1 =	vsel vm2, $0xFFFFFF80, v1  }
0x31: {  	v0 =	vsel vm2, $0xFFFC0000, v0;
	v2 =	vand.u32 $0xFFFFFC00, v1  }
0x32: {  	v1 =	vand.u32 $0x380, v1;
	v0 =	vadd.s32 v0, v2  }
0x33: {  	v0 =	vor.u32 v1, v0  }
0x34: {  	v0 =	vshrl.u32 v0, $0x3  }
0x35: {  	s14 =	smul.u32 $0xA000, s14;
	_ =	sdelay $0x1  }
0x36: {  	s14 =	sshrl.u32 s14, $0x2  }
0x37: {  	s14 =	sor.u32 $0xA0, s14  }
0x38: {  	[tilespmem:s14], [sflag:$0x1] =	stream.indirect_vreg.gather [hbm:s4], $0x80, v0, vm0, $0x38;
	[tilespmem:$0x50A0] =	vst v63  }
0x39: {  	s17 =	sadd.s32 $0x10, s16;
	s15 =	sadd.s32 $0x400, s14  }
0x3a: {  	[tilespmem:s15], [sflag:$0x1] =	stream.indirect_vreg.gather [hbm:s4], $0x80, v0, vm1, $0x38;
	[tilespmem:$0x50A0] =	vst v63  }
0x3b: {  	s18 =	simm.s32 $0x80;
	v0 =	vld.msk [tilespmem:s17+$0x0 ss:$0x1], $0xffff;
	s17 =	smov.u32 s14  }
.LBB2_3:
0x3c: {  	p1 =	sne.s32 s18, $0x100;
	_ =	sdelay $0x4  }
0x3d: {  	v1 =	vshll.u32 v0, $0x6  }
0x3e: {  	vm2 =	veq.s32 v0, $0x80000000;
	v0 =	vshll.u32 v0, $0x12;
	v1 =	vand.u32 $0x3FF80, v1  }
0x3f: {  	v0 =	vand.u32 $0x40000, v0;
	v1 =	vsel vm2, $0xFFFFFF80, v1  }
0x40: {  	v0 =	vsel vm2, $0xFFFC0000, v0;
	v2 =	vand.u32 $0xFFFFFC00, v1  }
0x41: {  	v1 =	vand.u32 $0x380, v1;
	v0 =	vadd.s32 v0, v2  }
0x42: {  	v0 =	vor.u32 v1, v0  }
0x43: {  	v0 =	vshrl.u32 v0, $0x3;
	_ =	sdelay $0x3  }
.Ltmp3:
0x44: {  	s19 =	sshra.s32 s18, $0x2;
	s17 =	sadd.s32 $0x800, s17;
	(pc) =	sbr.rel @p1 .LBB2_3-.Ltmp3, $4  }
0x45: {  	[tilespmem:s17], [sflag:$0x1] =	stream.indirect_vreg.gather [hbm:s4], $0x80, v0, vm0, $0x38;
	[tilespmem:$0x50A0] =	vst v63  }
0x46: {  	s19 =	sadd.s32 s19, s16;
	s20 =	sadd.s32 $0x400, s17  }
0x47: {  	[tilespmem:s20], [sflag:$0x1] =	stream.indirect_vreg.gather [hbm:s4], $0x80, v0, vm1, $0x38;
	[tilespmem:$0x50A0] =	vst v63  }
0x48: {  	s18 =	sadd.s32 $0x40, s18;
	v0 =	vld.msk [tilespmem:s19+$0x0 ss:$0x1], $0xffff  }
0x49: {  	_ =	sdelay $0x3  }
0x4a: {  	v1 =	vshll.u32 v0, $0x6  }
0x4b: {  	vm2 =	veq.s32 v0, $0x80000000;
	v63 =	vshll.u32 v0, $0x12;
	v1 =	vand.u32 $0x3FF80, v1  }
0x4c: {  	v0 =	vand.u32 $0x40000, v63;
	v1 =	vsel vm2, $0xFFFFFF80, v1  }
0x4d: {  	v0 =	vsel vm2, $0xFFFC0000, v0;
	v2 =	vand.u32 $0xFFFFFC00, v1  }
0x4e: {  	v1 =	vand.u32 $0x380, v1;
	v0 =	vadd.s32 v0, v2  }
0x4f: {  	v0 =	vor.u32 v1, v0  }
0x50: {  	v0 =	vshrl.u32 v0, $0x3;
	_ =	sdelay $0x3  }
0x51: {  	s16 =	sadd.s32 $0x800, s17  }
0x52: {  	[tilespmem:s16], [sflag:$0x1] =	stream.indirect_vreg.gather [hbm:s4], $0x80, v0, vm0, $0x38;
	[tilespmem:$0x50A0] =	vst v63  }
0x53: {  	s16 =	sadd.s32 $0x400, s16  }
0x54: {  	[tilespmem:s16], [sflag:$0x1] =	stream.indirect_vreg.gather [hbm:s4], $0x80, v0, vm1, $0x38;
	[tilespmem:$0x50A0] =	vst v63  }
0x55: {  	s13 =	sshll.u32 s13, $0x4;
	_ =	swait.ge [sflag:s6], $0x2800  }
0x56: {  	s13 =	sadd.s32 s13, s9;
	[sflag:s6] =	ssyncset.done $0x0  }
0x57: {  	s17 =	sadd.s32 $0x0, s13;
	s16 =	simm.s32 $0x80;
	[sflag:s6] =	ssyncadd.s32 $0xFFFFD800  }
.LBB2_5:
0x58: {  	[hbm:s17] =	stream.linear.scatter [tilespmem:s14], [sflag:$0x3], $0x400, $0x38;
	[tilespmem:$0x50A0] =	vst v63  }
0x59: {  	s17 =	smov.u32 s16;
	s14 =	smov.u32 s15;
	p1 =	sne.s32 s16, $0x480  }
.Ltmp4:
0x5a: {  	s16 =	sadd.s32 $0x80, s16;
	(pc) =	sbr.rel @p1 .LBB2_5-.Ltmp4, $2  }
0x5b: {  	_ =	sdelay $0x2  }
0x5c: {  	s15 =	sadd.s32 $0x400, s15;
	s17 =	sadd.s32 s17, s13  }
.Ltmp5:
0x5d: {  	_ = 	snop;
	(pc) =	sbr.rel .LBB2_6-.Ltmp5, $1  }
0x5e: {  	_ =	sdelay $0x3  }
.LBB2_8:
0x5f: {  	_ =	sfence.sel $0x180000  }
0x60: {  	s1 =	simm.s32 $0x2;
	[bflag:$0x0] =	sbarrier.arrive $0xFFFF  }
0x61: {  	s30 =	simm.s32 $0x3;
	[sflag:s1] =	ssyncpa.u1 $0x1  }
0x62: {  	s31 =	simm.s32 $0x1;
	[sflag:s30] =	ssyncpa.u1 $0x1  }
0x63: {  	[sflag:s31] =	ssyncpa.u1 $0x1  }
0x64: {  	p0 =	sne.s32 s0, $0x0;
	_ =	strace $0x9000004A  }
0x65: {  	s0 =	sadd.s32 @!p0 $0x100000, s2;
	[bflag:$0x2] =	sbarrier.arrive $0xFFFF  }
0x66: {  	[sflag:s0] =	ssyncadd.tile.s32 @!p0 $0x1;
	_ =	shalt  }
.Lfunc_end2:
_tile_overlayer_lowered:
.L_overlay_start_2:
0x67: {  	(tag) =	ssettag $0x2  }
0x68: {  	s0 =	rddreg [dreg:$0x0];
	s2 =	stileid.u32  }
0x69: {  	s1 =	rddreg [dreg:$0x1];
	p0 =	sne.s32 s2, $0x0  }
0x6a: {  	s3 =	rddreg [dreg:$0x2];
	[bflag:$0x3] =	sbarrier.arrive $0xFFFF;
	s2 =	simm.s32 @!p0 $0x1C01  }
0x6b: {  	[timem:s3], [sflag:s2] =	dma.local @!p0 [hbm:s0], s1  }
0x6c: {  	s0 =	simm.s32 @!p0 $0x1  }
0x6d: {  	_ =	swait.ge @!p0 [sflag:s0], s1  }
0x6e: {  	s1 =	ssub.s32 @!p0 $0x0, s1;
	[sflag:s0] =	ssyncset.done @!p0 $0x0  }
0x6f: {  	[sflag:s0] =	ssyncadd.s32 @!p0 s1  }
0x70: {  	[bflag:$0x3] =	sbarrier.arrive $0xFFFF  }
0x71: {  	_ =	shalt  }

// kernel: gather_offload_async_start
scs
__scs_entry_jumppad:
0x0: {  	(pc) =	sbr.rel $0x88, $3  }
0x1: {  	(tag) =	ssettag $0x0;
	lr =	simm.s32 $0x1  }
0x2: {  	[smem:$0x3F9F] =	sst lr;
	_ =	strace $0xD0000000  }
0x3: {  	_ = 	snop  }
0x4: {  	_ = 	snop  }
0x5: {  	_ = 	snop  }
0x6: {  	_ = 	snop  }
0x7: {  	_ = 	snop  }
__scs_overlays_trampoline_lowered:
0x8: {  	[smem:$0x3FAE] =	sst s0  }
0x9: {  	[smem:$0x3FAF] =	sst s1  }
0xa: {  	[smem:$0x3FB0] =	sst s2  }
0xb: {  	[smem:$0x3FB1] =	sst s3  }
0xc: {  	[smem:$0x3FB2] =	sst s4  }
0xd: {  	[smem:$0x3FB3] =	sst s5  }
0xe: {  	[smem:$0x3FB4] =	sst s6  }
0xf: {  	[smem:$0x3FB5] =	sst s7  }
0x10: {  	[smem:$0x3FB6] =	sst s8  }
0x11: {  	[smem:$0x3FB7] =	sst s9;
	s0 =	simm.s32 @!p0 $0x0  }
0x12: {  	s1 =	sld [smem:$0x3F9D];
	s0 =	simm.s32 @p0 $0x1  }
0x13: {  	[smem:$0x3FB8] =	sst s0;
	s0 =	simm.s32 @!p1 $0x0  }
0x14: {  	s2 =	sld [smem:$0x3F9C];
	s0 =	simm.s32 @p1 $0x1  }
0x15: {  	[smem:$0x3FB9] =	sst s0;
	s0 =	simm.s32 @!p2 $0x0  }
0x16: {  	s3 =	sld [smem:$0x3FDB];
	s0 =	simm.s32 @p2 $0x1  }
0x17: {  	s4 =	simm.s32 $0x1BF5;
	[smem:$0x3FBB] =	sst s0  }
0x18: {  	s0 =	sld [smem:$0x3F9E];
	_ =	swait.ge [sflag:s4], $0x0  }
0x19: {  	s7 =	sld [smem:$0x3F9F]  }
0x1a: {  	s8 =	sadd.s32 $0xFFFFE003, lr  }
0x1b: {  	s9 =	sadd.s32 $0xFFFFFEF7, lr;
	s5 =	simm.s32 $0xFFFFFFFF;
	p2 =	slt.u32 s8, $0xFFFFF086  }
0x1c: {  	p1 =	slt.u32 s9, $0xF7A;
	s5 =	simm.s32 @!p2 $0x0  }
0x1d: {  	s5 =	simm.s32 @p1 $0x1;
	p0 =	seq.s32 s7, s2  }
0x1e: {  	s7 =	smul.u32 @!p0 $0xF7A, s2;
	p2 =	seq.s32 @!p0 s5, $0x0  }
0x1f: {  	s9 =	smul.u32 $0xF7A, s1;
	s8 =	simm.s32 @!p0 $0x1BF5;
	p2 =	por !p2, p0  }
0x20: {  	[sflag:s8] =	ssyncset.s32 @!p0 $0xFFFFF086;
	s6 =	sadd.s32 @!p0 s3, s7;
	s7 =	simm.s32 @!p0 $0x108  }
0x21: {  	s3 =	sadd.s32 s3, s9;
	s6 =	sadd.s32 @!p0 $0x88, s6;
	s7 =	simm.s32 @p2 $0x1082  }
0x22: {  	[simem:s7], [sflag:s8] =	dma.local @!p0 [hbm:s6], $0xF7A  }
0x23: {  	s9 =	sor.u32 $0xD0000000, s2;
	s6 =	simm.s32 $0x108;
	_ =	swait.ge @!p0 [sflag:s8], $0x0  }
0x24: {  	s3 =	sadd.s32 $0x88, s3;
	s6 =	simm.s32 @!p1 $0x1082;
	[sflag:s4] =	ssyncset.s32 $0xFFFFF086  }
0x25: {  	[simem:s6], [sflag:s4] =	dma.local [hbm:s3], $0xF7A  }
0x26: {  	[smem:$0x3F9F] =	sst s1;
	(tag) =	ssettag s2;
	_ =	strace s9  }
0x27: {  	s1 =	sld [smem:$0x3FAF]  }
0x28: {  	s2 =	sld [smem:$0x3FB0]  }
0x29: {  	s4 =	sld [smem:$0x3FB2]  }
0x2a: {  	p0 =	seq.s32 s5, $0x0;
	s5 =	sld [smem:$0x3FB3]  }
0x2b: {  	s6 =	sld [smem:$0x3FB4]  }
0x2c: {  	s7 =	sld [smem:$0x3FB5]  }
0x2d: {  	s3 =	simm.s32 $0x108;
	s8 =	sld [smem:$0x3FB6]  }
0x2e: {  	s3 =	simm.s32 @!p0 $0x1082;
	s9 =	sld [smem:$0x3FB7]  }
0x2f: {  	lr =	sadd.s32 s0, s3;
	s0 =	sld [smem:$0x3FAE]  }
0x30: {  	s3 =	sld [smem:$0x3FB1]  }
0x31: {  	[smem:$0x3FBA] =	sst s10  }
0x32: {  	s10 =	sld [smem:$0x3FB8];
	_ =	sdelay $0x3  }
0x33: {  	p0 =	seq.s32 s10, $0x1;
	s10 =	sld [smem:$0x3FBA];
	_ =	sdelay $0x3  }
0x34: {  	[smem:$0x3FBA] =	sst s10  }
0x35: {  	s10 =	sld [smem:$0x3FB9];
	_ =	sdelay $0x3  }
0x36: {  	p1 =	seq.s32 s10, $0x1;
	s10 =	sld [smem:$0x3FBA];
	_ =	sdelay $0x3  }
0x37: {  	[smem:$0x3FBA] =	sst s10  }
0x38: {  	s10 =	sld [smem:$0x3FBB]  }
0x39: {  	_ = 	snop;
	(pc) =	sbr.ind lr, $3  }
0x3a: {  	_ = 	snop  }
0x3b: {  	_ = 	snop  }
0x3c: {  	p2 =	seq.s32 s10, $0x1;
	s10 =	sld [smem:$0x3FBA]  }
0x3d: {  	_ =	shalt  }
0x3e: {  	_ =	shalt  }
0x3f: {  	_ =	shalt  }
0x40: {  	_ =	shalt  }
0x41: {  	_ =	shalt  }
0x42: {  	_ =	shalt  }
0x43: {  	_ =	shalt  }
0x44: {  	_ =	shalt  }
0x45: {  	_ =	shalt  }
0x46: {  	_ =	shalt  }
0x47: {  	_ =	shalt  }
0x48: {  	_ =	shalt  }
0x49: {  	_ =	shalt  }
0x4a: {  	_ =	shalt  }
0x4b: {  	_ =	shalt  }
0x4c: {  	_ =	shalt  }
0x4d: {  	_ =	shalt  }
0x4e: {  	_ =	shalt  }
0x4f: {  	_ =	shalt  }
0x50: {  	_ =	shalt  }
0x51: {  	_ =	shalt  }
0x52: {  	_ =	shalt  }
0x53: {  	_ =	shalt  }
0x54: {  	_ =	shalt  }
0x55: {  	_ =	shalt  }
0x56: {  	_ =	shalt  }
0x57: {  	_ =	shalt  }
0x58: {  	_ =	shalt  }
0x59: {  	_ =	shalt  }
0x5a: {  	_ =	shalt  }
0x5b: {  	_ =	shalt  }
0x5c: {  	_ =	shalt  }
0x5d: {  	_ =	shalt  }
0x5e: {  	_ =	shalt  }
0x5f: {  	_ =	shalt  }
0x60: {  	_ =	shalt  }
0x61: {  	_ =	shalt  }
0x62: {  	_ =	shalt  }
0x63: {  	_ =	shalt  }
0x64: {  	_ =	shalt  }
0x65: {  	_ =	shalt  }
0x66: {  	_ =	shalt  }
0x67: {  	_ =	shalt  }
0x68: {  	_ =	shalt  }
0x69: {  	_ =	shalt  }
0x6a: {  	_ =	shalt  }
0x6b: {  	_ =	shalt  }
0x6c: {  	_ =	shalt  }
0x6d: {  	_ =	shalt  }
0x6e: {  	_ =	shalt  }
0x6f: {  	_ =	shalt  }
0x70: {  	_ =	shalt  }
0x71: {  	_ =	shalt  }
0x72: {  	_ =	shalt  }
0x73: {  	_ =	shalt  }
0x74: {  	_ =	shalt  }
0x75: {  	_ =	shalt  }
0x76: {  	_ =	shalt  }
0x77: {  	_ =	shalt  }
0x78: {  	_ =	shalt  }
0x79: {  	_ =	shalt  }
0x7a: {  	_ =	shalt  }
0x7b: {  	_ =	shalt  }
0x7c: {  	_ =	shalt  }
0x7d: {  	_ =	shalt  }
0x7e: {  	_ =	shalt  }
0x7f: {  	_ =	shalt  }
0x80: {  	_ =	shalt  }
0x81: {  	_ =	shalt  }
0x82: {  	_ =	shalt  }
0x83: {  	_ =	shalt  }
0x84: {  	_ =	shalt  }
0x85: {  	_ =	shalt  }
0x86: {  	_ =	shalt  }
0x87: {  	_ =	shalt  }
.Lfunc_end0:
.L_simem_size_0:
called_computation_lowered:
.L_overlay_start_0:
0x88: {  	s2 =	sld [smem:$0x3FD9]  }
0x89: {  	s3 =	sld [smem:$0x3FFE];
	_ =	sdelay $0x1  }
0x8a: {  	s1 =	srdreg.scid  }
0x8b: {  	s0 =	sand.u32 $0x1, s1  }
0x8c: {  	s17 =	sshll.u32 s0, $0xA;
	s2 =	sadd.s32 s3, s2  }
0x8d: {  	s2 =	sadd.s32 s2, s17  }
0x8e: {  	[smem:$0x3FC6] =	sst s2  }
0x8f: {  	_ = 	snop  }
0x90: {  	s2 =	sld [smem:$0x3FD0];
	(tm) =	ssettm $0x1  }
0x91: {  	s18 =	sld [smem:$0x3FFB];
	_ =	sdelay $0x3  }
0x92: {  	_ =	strace s18  }
0x93: {  	s3 =	sld [smem:$0x3FFC];
	_ =	sdelay $0x3  }
0x94: {  	_ =	strace s3  }
0x95: {  	s3 =	sld [smem:$0x3FFD];
	_ =	sdelay $0x3  }
0x96: {  	_ =	strace s3  }
0x97: {  	_ =	strace $0x8FFFFFFF  }
0x98: {  	s19 =	sld [smem:$0x3FDB];
	_ =	sdelay $0x1  }
0x99: {  	s4 =	simm.s32 $_scs_section_size  }
0x9a: {  	s5 =	simm.s32 $_size__tile_overlayer_lowered;
	s6 =	simm.s32 $_tile_overlayer_lowered  }
0x9b: {  	s22 =	simm.s32 $0x1BFF;
	s21 =	sshll.u32 s6, $0x1;
	s3 =	sadd.s32 s4, s19  }
0x9c: {  	s7 =	simm.s32 $0x0;
	s20 =	sshll.u32 s5, $0x1;
	s5 =	sadd.s32 s21, s3  }
0x9d: {  	[timem:s7], [sflag:s22] =	dma.local [hbm:s5], s20  }
0x9e: {  	_ =	swait.ge [sflag:s22], s20  }
0x9f: {  	s4 =	ssub.s32 $0x0, s20;
	[sflag:s22] =	ssyncset.done $0x0  }
0xa0: {  	[sflag:s22] =	ssyncadd.s32 s4;
	_ =	sdelay $0x1  }
0xa1: {  	s23 =	simm.s32 $0x1B8B  }
0xa2: {  	_ =	swait.ge [sflag:s23], $0x1  }
0xa3: {  	[sflag:s23] =	ssyncset.done $0x0  }
0xa4: {  	s25 =	simm.s32 $0x1B8E;
	s24 =	sld [smem:$0x3FFE];
	[sflag:s23] =	ssyncadd.s32 $0xFFFFFFFF  }
0xa5: {  	s26 =	simm.s32 $execute0_lowered;
	[smem:$0x3FD2] =	sst s25  }
0xa6: {  	s5 =	sshll.u32 s26, $0x1;
	_ =	strace $0x80000046;
	[dreg:$0x1] =	wrdreg $0xFFFFFFFF  }
0xa7: {  	s28 =	simm.s32 $_size_execute0_lowered;
	s3 =	sadd.s32 s3, s5;
	[dreg:$0x0] =	wrdreg $0x0  }
0xa8: {  	s5 =	sshll.u32 s28, $0x1;
	[dreg:$0x2] =	wrdreg s3  }
0xa9: {  	[dreg:$0x3] =	wrdreg s5  }
0xaa: {  	[dreg:$0x4] =	wrdreg $0xC0  }
0xab: {  	_ =	task [dreg:s7], $0x5FFFF  }
0xac: {  	[dreg:$0x1] =	wrdreg $0xFFFFFFFF  }
0xad: {  	[dreg:$0x0] =	wrdreg $0x60  }
0xae: {  	[dreg:$0x2] =	wrdreg s24  }
0xaf: {  	[dreg:$0x3] =	wrdreg s2  }
0xb0: {  	[dreg:$0x4] =	wrdreg $0x9  }
0xb1: {  	_ =	task.clear_ibuf [dreg:s7], $0x5FFFF;
	_ =	strace $0x90000046  }
0xb2: {  	s29 =	simm.s32 $0x9;
	_ =	strace $0x80000048  }
0xb3: {  	_ =	swait.ge [sflag:s29], $0x1  }
0xb4: {  	[sflag:s29] =	ssyncadd.s32 $0xFFFFFFFF  }
0xb5: {  	_ =	strace $0x90000048  }
0xb6: {  	_ =	sfence  }
0xb7: {  	s30 =	sld [smem:$0x0];
	_ =	sdelay $0x2  }
0xb8: {  	s31 =	sshll.u32 s1, $0xD;
	s1 =	sshrl.u32 s1, $0x2  }
0xb9: {  	s3 =	sand.u32 $0x4000, s31;
	s1 =	sadd.s32 s1, s30  }
0xba: {  	s0 =	sor.u32 s3, s0;
	s1 =	sshll.u32 s1, $0x11  }
0xbb: {  	s0 =	sor.u32 s1, s0  }
0xbc: {  	s0 =	sadd.s32 $0x8F2B, s0  }
0xbd: {  	[sflag:s0] =	ssyncadd.remote.s32 $0x1  }
0xbe: {  	_ =	sfence.sel $0xFFFF  }
0xbf: {  	[dreg:$0x0] =	wrdreg $0xFFFFFFFF;
	(pc) =	sbr.abs _section_cstart, $3  }
0xc0: {  	[dreg:$0x1] =	wrdreg $0xFFFFFFFF  }
0xc1: {  	_ =	task.clear_ibuf [dreg:s7], $0x2FFFF;
	_ =	strace $0x9FFFFFFF  }
0xc2: {  	(tm) =	ssettm $0x7FFFFFFF  }
0xc3: {  	_ =	shalt  }
tec
execute0_lowered:
.L_overlay_start_1:
0x0: {  	(tag) =	ssettag $0x1  }
0x1: {  	s0 =	srdreg.scid  }
0x2: {  	s1 =	sshll.u32 s0, $0x4  }
0x3: {  	s0 =	stileid.u32;
	s1 =	sand.u32 $0x10, s1  }
0x4: {  	s2 =	sor.u32 s0, s1  }
0x5: {  	s1 =	smin.u32 s2, $0x12  }
0x6: {  	s1 =	sadd.s32 s2, s1  }
0x7: {  	p0 =	slt.u32 s2, $0x12;
	s2 =	simm.s32 $0xA0;
	s1 =	smul.u32 $0x50, s1  }
0x8: {  	s2 =	simm.s32 @!p0 $0x50  }
0x9: {  	s2 =	sadd.s32 s2, s1  }
0xa: {  	s3 =	smin.u32 s2, $0xFA0  }
0xb: {  	s7 =	ssub.s32 s3, s1  }
0xc: {  	p0 =	sgt.s32 s7, $0x0  }
0xd: {  	s7 =	simm.s32 @!p0 $0x0  }
0xe: {  	s4 =	rddreg [dreg:$0x0];
	s31 =	smul.u32 $0xCCCD, s7  }
0xf: {  	s5 =	rddreg [dreg:$0x1]  }
0x10: {  	s6 =	simm.s32 $0x1;
	s10 =	simm.s32 $0x3;
	s8 =	sshrl.u32 s31, $0x16  }
0x11: {  	s13 =	simm.s32 $0x0;
	s12 =	simm.s32 $0x0;
	s9 =	smul.u32 $0x50, s8  }
.Ltmp0:
0x12: {  	s11 =	smov.u32 s1;
	s2 =	rddreg [dreg:$0x2];
	(pc) =	sbr.rel .LBB2_1-.Ltmp0, $4  }
0x13: {  	_ =	strace $0x80000047;
	p0 =	sne.s32 s7, s9;
	s9 =	simm.s32 $0x1  }
0x14: {  	[sflag:s6] =	ssyncpa.u1 $0x0;
	s7 =	simm.s32 $0x2;
	s9 =	simm.s32 @!p0 $0x0  }
0x15: {  	[sflag:s7] =	ssyncpa.u1 $0x0;
	p0 =	por $0x0, $0x0;
	s8 =	sadd.s32 s8, s9  }
0x16: {  	vm0 =	vmmov $0xff;
	vm1 =	vcmask $0x3F20;
	s9 =	sadd.s32 $0x200000, s4;
	[sflag:s10] =	ssyncpa.u1 $0x0;
	s10 =	sadd.s32 $0x1, s8  }
.LBB2_6:
0x17: {  	[hbm:s17] =	stream.linear.scatter [tilespmem:s14], [sflag:$0x3], $0x400, $0x38;
	[tilespmem:$0x50A0] =	vst v63  }
.LBB2_7:
0x18: {  	s13 =	sadd.s32 $0x50, s11  }
0x19: {  	s15 =	smov.u32 s1;
	p2 =	slt.s32 s13, s3  }
0x1a: {  	s15 =	smov.u32 @p2 s13;
	p2 =	sne.s32 s12, s10  }
.Ltmp1:
0x1b: {  	p1 =	slt.u32 s12, $0x2;
	(pc) =	sbr.rel @!p2 .LBB2_8-.Ltmp1, $4  }
0x1c: {  	s14 =	simm.s32 @!p1 $0x3  }
0x1d: {  	s16 =	sadd.s32 $0x1, s12;
	_ =	swait.ge @!p1 [sflag:s14], $0x2800  }
0x1e: {  	p0 =	por !p0, !p0;
	s13 =	smov.u32 s11;
	[sflag:s14] =	ssyncset.done @!p1 $0x0  }
0x1f: {  	s12 =	smov.u32 s16;
	s11 =	smov.u32 s15;
	[sflag:s14] =	ssyncadd.s32 @!p1 $0xFFFFD800  }
.LBB2_1:
0x20: {  	p1 =	sge.u32 s12, s8  }
0x21: {  	s14 =	sxor.u32 @!p1 $0xFFFFFFFF, s12  }
0x22: {  	s14 =	sand.u32 @!p1 $0x1, s14  }
0x23: {  	s14 =	smul.u32 @!p1 $0x140, s14  }
0x24: {  	s31 =	sadd.s32 $0xFFFFFFFF, s12;
	s15 =	sshrl.u32 @!p1 s11, $0x3  }
0x25: {  	s16 =	sand.u32 @!p1 $0x7, s11;
	s15 =	sadd.s32 @!p1 s5, s15;
	s14 =	sshrl.u32 @!p1 s14, $0x2  }
0x26: {  	[tilespmem:s14], [sflag:$0x2] =	stream.linear.gather @!p1 [hbm4b:s15+s16], $0x50, $0x38;
	[tilespmem:$0x50A0] =	vst v63  }
0x27: {  	p1 =	sge.u32 s31, s8  }
.Ltmp2:
0x28: {  	_ = 	snop;
	(pc) =	sbr.rel @p1 .LBB2_7-.Ltmp2, $1  }
0x29: {  	_ =	sdelay $0x3  }
0x2a: {  	s14 =	simm.s32 $0x1  }
0x2b: {  	s14 =	simm.s32 @!p0 $0x0  }
0x2c: {  	s15 =	smul.u32 $0x140, s14  }
0x2d: {  	_ =	swait.ge [sflag:s7], $0x50  }
0x2e: {  	[sflag:s7] =	ssyncset.done $0x0;
	s16 =	sshrl.u32 s15, $0x2  }
0x2f: {  	[sflag:s7] =	ssyncadd.s32 $0xFFFFFFB0;
	s15 =	sadd.s32 $0x0, s16  }
0x30: {  	v0 =	vld.msk [tilespmem:s15+$0x0 ss:$0x1], $0xffff;
	_ =	sdelay $0x4  }
0x31: {  	v1 =	vshll.u32 v0, $0x6  }
0x32: {  	vm2 =	veq.s32 v0, $0x80000000;
	v0 =	vshll.u32 v0, $0x17;
	v1 =	vand.u32 $0x7FFF80, v1  }
0x33: {  	v0 =	vand.u32 $0x800000, v0;
	v1 =	vsel vm2, $0xFFFFFF80, v1  }
0x34: {  	v0 =	vsel vm2, $0xFF800000, v0;
	v2 =	vand.u32 $0xFFFFFC00, v1  }
0x35: {  	v1 =	vand.u32 $0x380, v1;
	v0 =	vadd.s32 v0, v2  }
0x36: {  	v0 =	vor.u32 v1, v0  }
0x37: {  	v0 =	vshrl.u32 v0, $0x3  }
0x38: {  	s14 =	smul.u32 $0xA000, s14;
	_ =	sdelay $0x1  }
0x39: {  	s14 =	sshrl.u32 s14, $0x2  }
0x3a: {  	s14 =	sor.u32 $0xA0, s14  }
0x3b: {  	[tilespmem:s14], [sflag:$0x1] =	stream.indirect_vreg.gather [hbm:s4], $0x80, v0, vm0, $0x38;
	[tilespmem:$0x50A0] =	vst v63  }
0x3c: {  	s17 =	sadd.s32 $0x10, s16;
	s15 =	sadd.s32 $0x400, s14  }
0x3d: {  	[tilespmem:s15], [sflag:$0x1] =	stream.indirect_vreg.gather [hbm:s4], $0x80, v0, vm1, $0x38;
	[tilespmem:$0x50A0] =	vst v63  }
0x3e: {  	s18 =	simm.s32 $0x80;
	v0 =	vld.msk [tilespmem:s17+$0x0 ss:$0x1], $0xffff;
	s17 =	smov.u32 s14  }
.LBB2_3:
0x3f: {  	p1 =	sne.s32 s18, $0x100;
	_ =	sdelay $0x4  }
0x40: {  	v1 =	vshll.u32 v0, $0x6  }
0x41: {  	vm2 =	veq.s32 v0, $0x80000000;
	v0 =	vshll.u32 v0, $0x17;
	v1 =	vand.u32 $0x7FFF80, v1  }
0x42: {  	v0 =	vand.u32 $0x800000, v0;
	v1 =	vsel vm2, $0xFFFFFF80, v1  }
0x43: {  	v0 =	vsel vm2, $0xFF800000, v0;
	v2 =	vand.u32 $0xFFFFFC00, v1  }
0x44: {  	v1 =	vand.u32 $0x380, v1;
	v0 =	vadd.s32 v0, v2  }
0x45: {  	v0 =	vor.u32 v1, v0  }
0x46: {  	v0 =	vshrl.u32 v0, $0x3;
	_ =	sdelay $0x3  }
.Ltmp3:
0x47: {  	s19 =	sshra.s32 s18, $0x2;
	s17 =	sadd.s32 $0x800, s17;
	(pc) =	sbr.rel @p1 .LBB2_3-.Ltmp3, $4  }
0x48: {  	[tilespmem:s17], [sflag:$0x1] =	stream.indirect_vreg.gather [hbm:s4], $0x80, v0, vm0, $0x38;
	[tilespmem:$0x50A0] =	vst v63  }
0x49: {  	s19 =	sadd.s32 s19, s16;
	s20 =	sadd.s32 $0x400, s17  }
0x4a: {  	[tilespmem:s20], [sflag:$0x1] =	stream.indirect_vreg.gather [hbm:s4], $0x80, v0, vm1, $0x38;
	[tilespmem:$0x50A0] =	vst v63  }
0x4b: {  	s18 =	sadd.s32 $0x40, s18;
	v0 =	vld.msk [tilespmem:s19+$0x0 ss:$0x1], $0xffff  }
0x4c: {  	_ =	sdelay $0x3  }
0x4d: {  	v1 =	vshll.u32 v0, $0x6  }
0x4e: {  	vm2 =	veq.s32 v0, $0x80000000;
	v63 =	vshll.u32 v0, $0x17;
	v1 =	vand.u32 $0x7FFF80, v1  }
0x4f: {  	v0 =	vand.u32 $0x800000, v63;
	v1 =	vsel vm2, $0xFFFFFF80, v1  }
0x50: {  	v0 =	vsel vm2, $0xFF800000, v0;
	v2 =	vand.u32 $0xFFFFFC00, v1  }
0x51: {  	v1 =	vand.u32 $0x380, v1;
	v0 =	vadd.s32 v0, v2  }
0x52: {  	v0 =	vor.u32 v1, v0  }
0x53: {  	v0 =	vshrl.u32 v0, $0x3;
	_ =	sdelay $0x3  }
0x54: {  	s16 =	sadd.s32 $0x800, s17  }
0x55: {  	[tilespmem:s16], [sflag:$0x1] =	stream.indirect_vreg.gather [hbm:s4], $0x80, v0, vm0, $0x38;
	[tilespmem:$0x50A0] =	vst v63  }
0x56: {  	s16 =	sadd.s32 $0x400, s16  }
0x57: {  	[tilespmem:s16], [sflag:$0x1] =	stream.indirect_vreg.gather [hbm:s4], $0x80, v0, vm1, $0x38;
	[tilespmem:$0x50A0] =	vst v63  }
0x58: {  	s13 =	sshll.u32 s13, $0x4;
	_ =	swait.ge [sflag:s6], $0x2800  }
0x59: {  	s13 =	sadd.s32 s13, s9;
	[sflag:s6] =	ssyncset.done $0x0  }
0x5a: {  	s17 =	sadd.s32 $0x0, s13;
	s16 =	simm.s32 $0x80;
	[sflag:s6] =	ssyncadd.s32 $0xFFFFD800  }
.LBB2_5:
0x5b: {  	[hbm:s17] =	stream.linear.scatter [tilespmem:s14], [sflag:$0x3], $0x400, $0x38;
	[tilespmem:$0x50A0] =	vst v63  }
0x5c: {  	s17 =	smov.u32 s16;
	s14 =	smov.u32 s15;
	p1 =	sne.s32 s16, $0x480  }
.Ltmp4:
0x5d: {  	s16 =	sadd.s32 $0x80, s16;
	(pc) =	sbr.rel @p1 .LBB2_5-.Ltmp4, $2  }
0x5e: {  	_ =	sdelay $0x2  }
0x5f: {  	s15 =	sadd.s32 $0x400, s15;
	s17 =	sadd.s32 s17, s13  }
.Ltmp5:
0x60: {  	_ = 	snop;
	(pc) =	sbr.rel .LBB2_6-.Ltmp5, $1  }
0x61: {  	_ =	sdelay $0x3  }
.LBB2_8:
0x62: {  	_ =	sfence.sel $0x180000  }
0x63: {  	s1 =	simm.s32 $0x2;
	[bflag:$0x0] =	sbarrier.arrive $0xFFFF  }
0x64: {  	s30 =	simm.s32 $0x3;
	[sflag:s1] =	ssyncpa.u1 $0x1  }
0x65: {  	s31 =	simm.s32 $0x1;
	[sflag:s30] =	ssyncpa.u1 $0x1  }
0x66: {  	[sflag:s31] =	ssyncpa.u1 $0x1  }
0x67: {  	p0 =	sne.s32 s0, $0x0;
	_ =	strace $0x90000047  }
0x68: {  	s0 =	sadd.s32 @!p0 $0x100000, s2;
	[bflag:$0x2] =	sbarrier.arrive $0xFFFF  }
0x69: {  	[sflag:s0] =	ssyncadd.tile.s32 @!p0 $0x1;
	_ =	shalt  }
.Lfunc_end2:
_tile_overlayer_lowered:
.L_overlay_start_2:
0x6a: {  	(tag) =	ssettag $0x2  }
0x6b: {  	s0 =	rddreg [dreg:$0x0];
	s2 =	stileid.u32  }
0x6c: {  	s1 =	rddreg [dreg:$0x1];
	p0 =	sne.s32 s2, $0x0  }
0x6d: {  	s3 =	rddreg [dreg:$0x2];
	[bflag:$0x3] =	sbarrier.arrive $0xFFFF;
	s2 =	simm.s32 @!p0 $0x1C01  }
0x6e: {  	[timem:s3], [sflag:s2] =	dma.local @!p0 [hbm:s0], s1  }
0x6f: {  	s0 =	simm.s32 @!p0 $0x1  }
0x70: {  	_ =	swait.ge @!p0 [sflag:s0], s1  }
0x71: {  	s1 =	ssub.s32 @!p0 $0x0, s1;
	[sflag:s0] =	ssyncset.done @!p0 $0x0  }
0x72: {  	[sflag:s0] =	ssyncadd.s32 @!p0 s1  }
0x73: {  	[bflag:$0x3] =	sbarrier.arrive $0xFFFF  }
0x74: {  	_ =	shalt  }

</sc_bundles>
